<compile_context>
chip_gen: v7x
topology: tpu7x:2x2x1
jax: 0.10.2.dev20260603
libtpu: 0.0.44.dev20260713+nightly
codegen_flags: <defaults>
</compile_context>

<pallas_src>
import functools

import jax
import jax.numpy as jnp
from jax import lax
from jax.experimental import pallas as pl
from jax.experimental.pallas import tpu as pltpu
from jax.experimental.pallas import tpu_sc as plsc

B = 16384
L = 50
D = 64
NC = 2
NS = 16
NW = NC * NS
BPW = B // NW
NBC = 32
NCH = BPW // NBC

_mesh = plsc.VectorSubcoreMesh(core_axis_name="c", subcore_axis_name="s")


@functools.partial(
    pl.kernel,
    mesh=_mesh,
    out_type=jax.ShapeDtypeStruct((B, L, D), jnp.float32),
    scratch_types=[
        pltpu.VMEM((NBC, L), jnp.int32),
        pltpu.VMEM((NBC, L, D), jnp.float32),
        pltpu.SemaphoreType.DMA,
    ],
    compiler_params=pltpu.CompilerParams(use_tc_tiling_on_sc=False),
)
def _gather_kernel(idx_hbm, table_hbm, out_hbm, idx_v, rows_v, sem):
    wid = lax.axis_index("s") * NC + lax.axis_index("c")
    b_base = wid * BPW

    def body(g, carry):
        bb = b_base + g * NBC
        pltpu.sync_copy(idx_hbm.at[pl.ds(bb, NBC)], idx_v)
        descs = [
            pltpu.async_copy(table_hbm.at[idx_v.at[b]], rows_v.at[b], sem)
            for b in range(NBC)
        ]
        for d in descs:
            d.wait()
        pltpu.sync_copy(rows_v, out_hbm.at[pl.ds(bb, NBC)])
        return carry

    lax.fori_loop(0, NCH, body, 0)


def kernel(inputs, word_table):
    return _gather_kernel(inputs.astype(jnp.int32), word_table)

# --- scband reference (transcript-rebuilt; emitter-appended) ---
"""Pipeline reference for scband-emotional-embedding-19061064859860 (READ-ONLY COPY).

The authoritative reference and input builder live on the scoring server;
editing this copy changes nothing except your own understanding.
"""

import jax, jax.numpy as jnp
import numpy as np

VOCAB = 1000000
D_MODEL = 64
B = 16384
L = 50

def setup_inputs(seed: int = 0) -> dict:
    key = jax.random.key(seed)
    k1, k2 = jax.random.split(key)
    inputs = jax.random.randint(k1, (B, L), 0, VOCAB, dtype=jnp.int64 if jax.config.jax_enable_x64 else jnp.int32)
    word_table = jax.random.normal(k2, (VOCAB, D_MODEL), dtype=jnp.float32) * 0.02
    return {"inputs": inputs, "word_table": word_table}

def reference(inputs, word_table):
    # Faithful translation of EmotionalEmbedding.forward:
    #   input_embeds = self.word_embedding(inputs)
    # The original module returns None (dead code); we return the computed
    # embedding lookup so the kernel is testable. The emotional_embedding
    # table is constructed in __init__ but never used in forward, so it is
    # omitted from the compute graph.
    input_embeds = jnp.take(word_table, inputs, axis=0)
    return input_embeds

if __name__ == "__main__":
    import jax
    _d = setup_inputs()
    print(jax.jit(kernel)(*tuple(_d.values())))

</pallas_src>

<mosaic_0001>
#map = affine_map<(d0, d1) -> (0, 0)>
#map1 = affine_map<(d0, d1) -> (0, 0, 0)>
module attributes {stable_mosaic.version = 14 : i64} {
  func.func @_gather_kernel(%arg0: i32, %arg1: i32, %arg2: memref<16384x50xi32, #tpu.memory_space<hbm>>, %arg3: memref<1000000x64xf32, #tpu.memory_space<hbm>>, %arg4: memref<16384x50x64xf32, #tpu.memory_space<hbm>>, %arg5: memref<32x50xi32, #tpu.memory_space<vmem>>, %arg6: memref<32x50x64xf32, #tpu.memory_space<vmem>>, %arg7: memref<!tpu.dma_semaphore, #tpu.memory_space<semaphore_mem>>) attributes {dimension_semantics = [#tpu.dimension_semantics<core_parallel>, #tpu.dimension_semantics<subcore_parallel>], iteration_bounds = array<i64: 2, 16>, scalar_prefetch = 0 : i64, scratch_operands = 3 : i64, tpu.core_type = #tpu.core_type<sc_vector_subcore>, window_params = [{transform_indices = #map}, {transform_indices = #map}, {transform_indices = #map1}]} {
    %mul3A = arith.constant 2 : i32
    %mul3A_0 = arith.muli %arg1, %mul3A : i32
    %add3A = arith.addi %mul3A_0, %arg0 : i32
    %mul3A_1 = arith.constant 512 : i32
    %mul3A_2 = arith.muli %add3A, %mul3A_1 : i32
    %scan3A = arith.constant 0 : i32
    %scan3A_3 = arith.constant 0 : i32
    %scan3A_4 = arith.constant 16 : i32
    %scan3A_5 = arith.addi %scan3A_3, %scan3A_4 : i32
    %scan3A_6 = arith.constant 1 : i32
    scf.for %scan3A_8 = %scan3A_3 to %scan3A_5 step %scan3A_6  : i32 {
      %mul3A_9 = arith.constant 32 : i32
      %mul3A_10 = arith.muli %scan3A_8, %mul3A_9 : i32
      %add3A_11 = arith.addi %mul3A_2, %mul3A_10 : i32
      "tpu.region"() ({
        %run_scoped3A = tpu.sem_alloc : memref<!tpu.dma_semaphore, #tpu.memory_space<semaphore_mem>>
        %dma_start3A_778 = arith.constant 0 : i32
        %dma_start3A_779 = tpu.memref_slice %arg2[%add3A_11, %dma_start3A_778] : memref<16384x50xi32, #tpu.memory_space<hbm>> -> memref<32x50xi32, #tpu.memory_space<hbm>>
        %dma_start3A_780 = arith.constant 0 : i32
        %dma_start3A_781 = tpu.memref_slice %arg2[%add3A_11, %dma_start3A_780] : memref<16384x50xi32, #tpu.memory_space<hbm>> -> memref<32x50xi32, #tpu.memory_space<hbm>>
        tpu.enqueue_dma source(%dma_start3A_781 : memref<32x50xi32, #tpu.memory_space<hbm>>) target(%arg5 : memref<32x50xi32, #tpu.memory_space<vmem>>) target_semaphore(%run_scoped3A : memref<!tpu.dma_semaphore, #tpu.memory_space<semaphore_mem>>)
        %dma_wait3A_782 = arith.constant 0 : i32
        %dma_wait3A_783 = tpu.memref_slice %arg2[%add3A_11, %dma_wait3A_782] : memref<16384x50xi32, #tpu.memory_space<hbm>> -> memref<32x50xi32, #tpu.memory_space<hbm>>
        %dma_wait3A_784 = arith.constant 0 : i32
        %dma_wait3A_785 = tpu.memref_slice %arg2[%add3A_11, %dma_wait3A_784] : memref<16384x50xi32, #tpu.memory_space<hbm>> -> memref<32x50xi32, #tpu.memory_space<hbm>>
        tpu.wait_dma2 semaphore(%run_scoped3A : memref<!tpu.dma_semaphore, #tpu.memory_space<semaphore_mem>>) src(%dma_wait3A_785 : memref<32x50xi32, #tpu.memory_space<hbm>>) dst(%arg5 : memref<32x50xi32, #tpu.memory_space<vmem>>)
        tpu.yield
      }) : () -> ()
      %dma_start3A = arith.constant 0 : i32
      %dma_start3A_12 = arith.constant 0 : i32
      %dma_start3A_13 = arith.constant 0 : i32
      %dma_start3A_14 = arith.constant 0 : i32
      %dma_start3A_15 = tpu.memref_slice %arg6[%dma_start3A_12, %dma_start3A_13, %dma_start3A_14] : memref<32x50x64xf32, #tpu.memory_space<vmem>> -> memref<1x50x64xf32, #tpu.memory_space<vmem>>
      %dma_start3A_16 = tpu.memref_squeeze %dma_start3A_15 : memref<1x50x64xf32, #tpu.memory_space<vmem>> -> memref<50x64xf32, #tpu.memory_space<vmem>>
      %dma_start3A_17 = arith.constant 0 : i32
      %dma_start3A_18 = tpu.memref_slice %arg5[%dma_start3A, %dma_start3A_17] : memref<32x50xi32, #tpu.memory_space<vmem>> -> memref<1x50xi32, #tpu.memory_space<vmem>>
      %dma_start3A_19 = tpu.memref_squeeze %dma_start3A_18 : memref<1x50xi32, #tpu.memory_space<vmem>> -> memref<50xi32, #tpu.memory_space<vmem>>
      %dma_start3A_20 = arith.constant 0 : i32
      %dma_start3A_21 = arith.constant 0 : i32
      %dma_start3A_22 = tpu.memref_slice %arg3[%dma_start3A_20, %dma_start3A_21] : memref<1000000x64xf32, #tpu.memory_space<hbm>> -> memref<1000000x64xf32, #tpu.memory_space<hbm>>
      tpu.enqueue_indirect_dma source(%dma_start3A_22 : memref<1000000x64xf32, #tpu.memory_space<hbm>>) target(%dma_start3A_16 : memref<50x64xf32, #tpu.memory_space<vmem>>) offsets(%dma_start3A_19 : memref<50xi32, #tpu.memory_space<vmem>>) semaphore(%arg7 : memref<!tpu.dma_semaphore, #tpu.memory_space<semaphore_mem>>)
      %dma_start3A_23 = arith.constant 1 : i32
      %dma_start3A_24 = arith.constant 1 : i32
      %dma_start3A_25 = arith.constant 0 : i32
      %dma_start3A_26 = arith.constant 0 : i32
      %dma_start3A_27 = tpu.memref_slice %arg6[%dma_start3A_24, %dma_start3A_25, %dma_start3A_26] : memref<32x50x64xf32, #tpu.memory_space<vmem>> -> memref<1x50x64xf32, #tpu.memory_space<vmem>>
      %dma_start3A_28 = tpu.memref_squeeze %dma_start3A_27 : memref<1x50x64xf32, #tpu.memory_space<vmem>> -> memref<50x64xf32, #tpu.memory_space<vmem>>
      %dma_start3A_29 = arith.constant 0 : i32
      %dma_start3A_30 = tpu.memref_slice %arg5[%dma_start3A_23, %dma_start3A_29] : memref<32x50xi32, #tpu.memory_space<vmem>> -> memref<1x50xi32, #tpu.memory_space<vmem>>
      %dma_start3A_31 = tpu.memref_squeeze %dma_start3A_30 : memref<1x50xi32, #tpu.memory_space<vmem>> -> memref<50xi32, #tpu.memory_space<vmem>>
      %dma_start3A_32 = arith.constant 0 : i32
      %dma_start3A_33 = arith.constant 0 : i32
      %dma_start3A_34 = tpu.memref_slice %arg3[%dma_start3A_32, %dma_start3A_33] : memref<1000000x64xf32, #tpu.memory_space<hbm>> -> memref<1000000x64xf32, #tpu.memory_space<hbm>>
      tpu.enqueue_indirect_dma source(%dma_start3A_34 : memref<1000000x64xf32, #tpu.memory_space<hbm>>) target(%dma_start3A_28 : memref<50x64xf32, #tpu.memory_space<vmem>>) offsets(%dma_start3A_31 : memref<50xi32, #tpu.memory_space<vmem>>) semaphore(%arg7 : memref<!tpu.dma_semaphore, #tpu.memory_space<semaphore_mem>>)
      %dma_start3A_35 = arith.constant 2 : i32
      %dma_start3A_36 = arith.constant 2 : i32
      %dma_start3A_37 = arith.constant 0 : i32
      %dma_start3A_38 = arith.constant 0 : i32
      %dma_start3A_39 = tpu.memref_slice %arg6[%dma_start3A_36, %dma_start3A_37, %dma_start3A_38] : memref<32x50x64xf32, #tpu.memory_space<vmem>> -> memref<1x50x64xf32, #tpu.memory_space<vmem>>
      %dma_start3A_40 = tpu.memref_squeeze %dma_start3A_39 : memref<1x50x64xf32, #tpu.memory_space<vmem>> -> memref<50x64xf32, #tpu.memory_space<vmem>>
      %dma_start3A_41 = arith.constant 0 : i32
      %dma_start3A_42 = tpu.memref_slice %arg5[%dma_start3A_35, %dma_start3A_41] : memref<32x50xi32, #tpu.memory_space<vmem>> -> memref<1x50xi32, #tpu.memory_space<vmem>>
      %dma_start3A_43 = tpu.memref_squeeze %dma_start3A_42 : memref<1x50xi32, #tpu.memory_space<vmem>> -> memref<50xi32, #tpu.memory_space<vmem>>
      %dma_start3A_44 = arith.constant 0 : i32
      %dma_start3A_45 = arith.constant 0 : i32
      %dma_start3A_46 = tpu.memref_slice %arg3[%dma_start3A_44, %dma_start3A_45] : memref<1000000x64xf32, #tpu.memory_space<hbm>> -> memref<1000000x64xf32, #tpu.memory_space<hbm>>
      tpu.enqueue_indirect_dma source(%dma_start3A_46 : memref<1000000x64xf32, #tpu.memory_space<hbm>>) target(%dma_start3A_40 : memref<50x64xf32, #tpu.memory_space<vmem>>) offsets(%dma_start3A_43 : memref<50xi32, #tpu.memory_space<vmem>>) semaphore(%arg7 : memref<!tpu.dma_semaphore, #tpu.memory_space<semaphore_mem>>)
      %dma_start3A_47 = arith.constant 3 : i32
      %dma_start3A_48 = arith.constant 3 : i32
      %dma_start3A_49 = arith.constant 0 : i32
      %dma_start3A_50 = arith.constant 0 : i32
      %dma_start3A_51 = tpu.memref_slice %arg6[%dma_start3A_48, %dma_start3A_49, %dma_start3A_50] : memref<32x50x64xf32, #tpu.memory_space<vmem>> -> memref<1x50x64xf32, #tpu.memory_space<vmem>>
      %dma_start3A_52 = tpu.memref_squeeze %dma_start3A_51 : memref<1x50x64xf32, #tpu.memory_space<vmem>> -> memref<50x64xf32, #tpu.memory_space<vmem>>
      %dma_start3A_53 = arith.constant 0 : i32
      %dma_start3A_54 = tpu.memref_slice %arg5[%dma_start3A_47, %dma_start3A_53] : memref<32x50xi32, #tpu.memory_space<vmem>> -> memref<1x50xi32, #tpu.memory_space<vmem>>
      %dma_start3A_55 = tpu.memref_squeeze %dma_start3A_54 : memref<1x50xi32, #tpu.memory_space<vmem>> -> memref<50xi32, #tpu.memory_space<vmem>>
      %dma_start3A_56 = arith.constant 0 : i32
      %dma_start3A_57 = arith.constant 0 : i32
      %dma_start3A_58 = tpu.memref_slice %arg3[%dma_start3A_56, %dma_start3A_57] : memref<1000000x64xf32, #tpu.memory_space<hbm>> -> memref<1000000x64xf32, #tpu.memory_space<hbm>>
      tpu.enqueue_indirect_dma source(%dma_start3A_58 : memref<1000000x64xf32, #tpu.memory_space<hbm>>) target(%dma_start3A_52 : memref<50x64xf32, #tpu.memory_space<vmem>>) offsets(%dma_start3A_55 : memref<50xi32, #tpu.memory_space<vmem>>) semaphore(%arg7 : memref<!tpu.dma_semaphore, #tpu.memory_space<semaphore_mem>>)
      %dma_start3A_59 = arith.constant 4 : i32
      %dma_start3A_60 = arith.constant 4 : i32
      %dma_start3A_61 = arith.constant 0 : i32
      %dma_start3A_62 = arith.constant 0 : i32
      %dma_start3A_63 = tpu.memref_slice %arg6[%dma_start3A_60, %dma_start3A_61, %dma_start3A_62] : memref<32x50x64xf32, #tpu.memory_space<vmem>> -> memref<1x50x64xf32, #tpu.memory_space<vmem>>
      %dma_start3A_64 = tpu.memref_squeeze %dma_start3A_63 : memref<1x50x64xf32, #tpu.memory_space<vmem>> -> memref<50x64xf32, #tpu.memory_space<vmem>>
      %dma_start3A_65 = arith.constant 0 : i32
      %dma_start3A_66 = tpu.memref_slice %arg5[%dma_start3A_59, %dma_start3A_65] : memref<32x50xi32, #tpu.memory_space<vmem>> -> memref<1x50xi32, #tpu.memory_space<vmem>>
      %dma_start3A_67 = tpu.memref_squeeze %dma_start3A_66 : memref<1x50xi32, #tpu.memory_space<vmem>> -> memref<50xi32, #tpu.memory_space<vmem>>
      %dma_start3A_68 = arith.constant 0 : i32
      %dma_start3A_69 = arith.constant 0 : i32
      %dma_start3A_70 = tpu.memref_slice %arg3[%dma_start3A_68, %dma_start3A_69] : memref<1000000x64xf32, #tpu.memory_space<hbm>> -> memref<1000000x64xf32, #tpu.memory_space<hbm>>
      tpu.enqueue_indirect_dma source(%dma_start3A_70 : memref<1000000x64xf32, #tpu.memory_space<hbm>>) target(%dma_start3A_64 : memref<50x64xf32, #tpu.memory_space<vmem>>) offsets(%dma_start3A_67 : memref<50xi32, #tpu.memory_space<vmem>>) semaphore(%arg7 : memref<!tpu.dma_semaphore, #tpu.memory_space<semaphore_mem>>)
      %dma_start3A_71 = arith.constant 5 : i32
      %dma_start3A_72 = arith.constant 5 : i32
      %dma_start3A_73 = arith.constant 0 : i32
      %dma_start3A_74 = arith.constant 0 : i32
      %dma_start3A_75 = tpu.memref_slice %arg6[%dma_start3A_72, %dma_start3A_73, %dma_start3A_74] : memref<32x50x64xf32, #tpu.memory_space<vmem>> -> memref<1x50x64xf32, #tpu.memory_space<vmem>>
      %dma_start3A_76 = tpu.memref_squeeze %dma_start3A_75 : memref<1x50x64xf32, #tpu.memory_space<vmem>> -> memref<50x64xf32, #tpu.memory_space<vmem>>
      %dma_start3A_77 = arith.constant 0 : i32
      %dma_start3A_78 = tpu.memref_slice %arg5[%dma_start3A_71, %dma_start3A_77] : memref<32x50xi32, #tpu.memory_space<vmem>> -> memref<1x50xi32, #tpu.memory_space<vmem>>
      %dma_start3A_79 = tpu.memref_squeeze %dma_start3A_78 : memref<1x50xi32, #tpu.memory_space<vmem>> -> memref<50xi32, #tpu.memory_space<vmem>>
      %dma_start3A_80 = arith.constant 0 : i32
      %dma_start3A_81 = arith.constant 0 : i32
      %dma_start3A_82 = tpu.memref_slice %arg3[%dma_start3A_80, %dma_start3A_81] : memref<1000000x64xf32, #tpu.memory_space<hbm>> -> memref<1000000x64xf32, #tpu.memory_space<hbm>>
      tpu.enqueue_indirect_dma source(%dma_start3A_82 : memref<1000000x64xf32, #tpu.memory_space<hbm>>) target(%dma_start3A_76 : memref<50x64xf32, #tpu.memory_space<vmem>>) offsets(%dma_start3A_79 : memref<50xi32, #tpu.memory_space<vmem>>) semaphore(%arg7 : memref<!tpu.dma_semaphore, #tpu.memory_space<semaphore_mem>>)
      %dma_start3A_83 = arith.constant 6 : i32
      %dma_start3A_84 = arith.constant 6 : i32
      %dma_start3A_85 = arith.constant 0 : i32
      %dma_start3A_86 = arith.constant 0 : i32
      %dma_start3A_87 = tpu.memref_slice %arg6[%dma_start3A_84, %dma_start3A_85, %dma_start3A_86] : memref<32x50x64xf32, #tpu.memory_space<vmem>> -> memref<1x50x64xf32, #tpu.memory_space<vmem>>
      %dma_start3A_88 = tpu.memref_squeeze %dma_start3A_87 : memref<1x50x64xf32, #tpu.memory_space<vmem>> -> memref<50x64xf32, #tpu.memory_space<vmem>>
      %dma_start3A_89 = arith.constant 0 : i32
      %dma_start3A_90 = tpu.memref_slice %arg5[%dma_start3A_83, %dma_start3A_89] : memref<32x50xi32, #tpu.memory_space<vmem>> -> memref<1x50xi32, #tpu.memory_space<vmem>>
      %dma_start3A_91 = tpu.memref_squeeze %dma_start3A_90 : memref<1x50xi32, #tpu.memory_space<vmem>> -> memref<50xi32, #tpu.memory_space<vmem>>
      %dma_start3A_92 = arith.constant 0 : i32
      %dma_start3A_93 = arith.constant 0 : i32
      %dma_start3A_94 = tpu.memref_slice %arg3[%dma_start3A_92, %dma_start3A_93] : memref<1000000x64xf32, #tpu.memory_space<hbm>> -> memref<1000000x64xf32, #tpu.memory_space<hbm>>
      tpu.enqueue_indirect_dma source(%dma_start3A_94 : memref<1000000x64xf32, #tpu.memory_space<hbm>>) target(%dma_start3A_88 : memref<50x64xf32, #tpu.memory_space<vmem>>) offsets(%dma_start3A_91 : memref<50xi32, #tpu.memory_space<vmem>>) semaphore(%arg7 : memref<!tpu.dma_semaphore, #tpu.memory_space<semaphore_mem>>)
      %dma_start3A_95 = arith.constant 7 : i32
      %dma_start3A_96 = arith.constant 7 : i32
      %dma_start3A_97 = arith.constant 0 : i32
      %dma_start3A_98 = arith.constant 0 : i32
      %dma_start3A_99 = tpu.memref_slice %arg6[%dma_start3A_96, %dma_start3A_97, %dma_start3A_98] : memref<32x50x64xf32, #tpu.memory_space<vmem>> -> memref<1x50x64xf32, #tpu.memory_space<vmem>>
      %dma_start3A_100 = tpu.memref_squeeze %dma_start3A_99 : memref<1x50x64xf32, #tpu.memory_space<vmem>> -> memref<50x64xf32, #tpu.memory_space<vmem>>
      %dma_start3A_101 = arith.constant 0 : i32
      %dma_start3A_102 = tpu.memref_slice %arg5[%dma_start3A_95, %dma_start3A_101] : memref<32x50xi32, #tpu.memory_space<vmem>> -> memref<1x50xi32, #tpu.memory_space<vmem>>
      %dma_start3A_103 = tpu.memref_squeeze %dma_start3A_102 : memref<1x50xi32, #tpu.memory_space<vmem>> -> memref<50xi32, #tpu.memory_space<vmem>>
      %dma_start3A_104 = arith.constant 0 : i32
      %dma_start3A_105 = arith.constant 0 : i32
      %dma_start3A_106 = tpu.memref_slice %arg3[%dma_start3A_104, %dma_start3A_105] : memref<1000000x64xf32, #tpu.memory_space<hbm>> -> memref<1000000x64xf32, #tpu.memory_space<hbm>>
      tpu.enqueue_indirect_dma source(%dma_start3A_106 : memref<1000000x64xf32, #tpu.memory_space<hbm>>) target(%dma_start3A_100 : memref<50x64xf32, #tpu.memory_space<vmem>>) offsets(%dma_start3A_103 : memref<50xi32, #tpu.memory_space<vmem>>) semaphore(%arg7 : memref<!tpu.dma_semaphore, #tpu.memory_space<semaphore_mem>>)
      %dma_start3A_107 = arith.constant 8 : i32
      %dma_start3A_108 = arith.constant 8 : i32
      %dma_start3A_109 = arith.constant 0 : i32
      %dma_start3A_110 = arith.constant 0 : i32
      %dma_start3A_111 = tpu.memref_slice %arg6[%dma_start3A_108, %dma_start3A_109, %dma_start3A_110] : memref<32x50x64xf32, #tpu.memory_space<vmem>> -> memref<1x50x64xf32, #tpu.memory_space<vmem>>
      %dma_start3A_112 = tpu.memref_squeeze %dma_start3A_111 : memref<1x50x64xf32, #tpu.memory_space<vmem>> -> memref<50x64xf32, #tpu.memory_space<vmem>>
      %dma_start3A_113 = arith.constant 0 : i32
      %dma_start3A_114 = tpu.memref_slice %arg5[%dma_start3A_107, %dma_start3A_113] : memref<32x50xi32, #tpu.memory_space<vmem>> -> memref<1x50xi32, #tpu.memory_space<vmem>>
      %dma_start3A_115 = tpu.memref_squeeze %dma_start3A_114 : memref<1x50xi32, #tpu.memory_space<vmem>> -> memref<50xi32, #tpu.memory_space<vmem>>
      %dma_start3A_116 = arith.constant 0 : i32
      %dma_start3A_117 = arith.constant 0 : i32
      %dma_start3A_118 = tpu.memref_slice %arg3[%dma_start3A_116, %dma_start3A_117] : memref<1000000x64xf32, #tpu.memory_space<hbm>> -> memref<1000000x64xf32, #tpu.memory_space<hbm>>
      tpu.enqueue_indirect_dma source(%dma_start3A_118 : memref<1000000x64xf32, #tpu.memory_space<hbm>>) target(%dma_start3A_112 : memref<50x64xf32, #tpu.memory_space<vmem>>) offsets(%dma_start3A_115 : memref<50xi32, #tpu.memory_space<vmem>>) semaphore(%arg7 : memref<!tpu.dma_semaphore, #tpu.memory_space<semaphore_mem>>)
      %dma_start3A_119 = arith.constant 9 : i32
      %dma_start3A_120 = arith.constant 9 : i32
      %dma_start3A_121 = arith.constant 0 : i32
      %dma_start3A_122 = arith.constant 0 : i32
      %dma_start3A_123 = tpu.memref_slice %arg6[%dma_start3A_120, %dma_start3A_121, %dma_start3A_122] : memref<32x50x64xf32, #tpu.memory_space<vmem>> -> memref<1x50x64xf32, #tpu.memory_space<vmem>>
      %dma_start3A_124 = tpu.memref_squeeze %dma_start3A_123 : memref<1x50x64xf32, #tpu.memory_space<vmem>> -> memref<50x64xf32, #tpu.memory_space<vmem>>
      %dma_start3A_125 = arith.constant 0 : i32
      %dma_start3A_126 = tpu.memref_slice %arg5[%dma_start3A_119, %dma_start3A_125] : memref<32x50xi32, #tpu.memory_space<vmem>> -> memref<1x50xi32, #tpu.memory_space<vmem>>
      %dma_start3A_127 = tpu.memref_squeeze %dma_start3A_126 : memref<1x50xi32, #tpu.memory_space<vmem>> -> memref<50xi32, #tpu.memory_space<vmem>>
      %dma_start3A_128 = arith.constant 0 : i32
      %dma_start3A_129 = arith.constant 0 : i32
      %dma_start3A_130 = tpu.memref_slice %arg3[%dma_start3A_128, %dma_start3A_129] : memref<1000000x64xf32, #tpu.memory_space<hbm>> -> memref<1000000x64xf32, #tpu.memory_space<hbm>>
      tpu.enqueue_indirect_dma source(%dma_start3A_130 : memref<1000000x64xf32, #tpu.memory_space<hbm>>) target(%dma_start3A_124 : memref<50x64xf32, #tpu.memory_space<vmem>>) offsets(%dma_start3A_127 : memref<50xi32, #tpu.memory_space<vmem>>) semaphore(%arg7 : memref<!tpu.dma_semaphore, #tpu.memory_space<semaphore_mem>>)
      %dma_start3A_131 = arith.constant 10 : i32
      %dma_start3A_132 = arith.constant 10 : i32
      %dma_start3A_133 = arith.constant 0 : i32
      %dma_start3A_134 = arith.constant 0 : i32
      %dma_start3A_135 = tpu.memref_slice %arg6[%dma_start3A_132, %dma_start3A_133, %dma_start3A_134] : memref<32x50x64xf32, #tpu.memory_space<vmem>> -> memref<1x50x64xf32, #tpu.memory_space<vmem>>
      %dma_start3A_136 = tpu.memref_squeeze %dma_start3A_135 : memref<1x50x64xf32, #tpu.memory_space<vmem>> -> memref<50x64xf32, #tpu.memory_space<vmem>>
      %dma_start3A_137 = arith.constant 0 : i32
      %dma_start3A_138 = tpu.memref_slice %arg5[%dma_start3A_131, %dma_start3A_137] : memref<32x50xi32, #tpu.memory_space<vmem>> -> memref<1x50xi32, #tpu.memory_space<vmem>>
      %dma_start3A_139 = tpu.memref_squeeze %dma_start3A_138 : memref<1x50xi32, #tpu.memory_space<vmem>> -> memref<50xi32, #tpu.memory_space<vmem>>
      %dma_start3A_140 = arith.constant 0 : i32
      %dma_start3A_141 = arith.constant 0 : i32
      %dma_start3A_142 = tpu.memref_slice %arg3[%dma_start3A_140, %dma_start3A_141] : memref<1000000x64xf32, #tpu.memory_space<hbm>> -> memref<1000000x64xf32, #tpu.memory_space<hbm>>
      tpu.enqueue_indirect_dma source(%dma_start3A_142 : memref<1000000x64xf32, #tpu.memory_space<hbm>>) target(%dma_start3A_136 : memref<50x64xf32, #tpu.memory_space<vmem>>) offsets(%dma_start3A_139 : memref<50xi32, #tpu.memory_space<vmem>>) semaphore(%arg7 : memref<!tpu.dma_semaphore, #tpu.memory_space<semaphore_mem>>)
      %dma_start3A_143 = arith.constant 11 : i32
      %dma_start3A_144 = arith.constant 11 : i32
      %dma_start3A_145 = arith.constant 0 : i32
      %dma_start3A_146 = arith.constant 0 : i32
      %dma_start3A_147 = tpu.memref_slice %arg6[%dma_start3A_144, %dma_start3A_145, %dma_start3A_146] : memref<32x50x64xf32, #tpu.memory_space<vmem>> -> memref<1x50x64xf32, #tpu.memory_space<vmem>>
      %dma_start3A_148 = tpu.memref_squeeze %dma_start3A_147 : memref<1x50x64xf32, #tpu.memory_space<vmem>> -> memref<50x64xf32, #tpu.memory_space<vmem>>
      %dma_start3A_149 = arith.constant 0 : i32
      %dma_start3A_150 = tpu.memref_slice %arg5[%dma_start3A_143, %dma_start3A_149] : memref<32x50xi32, #tpu.memory_space<vmem>> -> memref<1x50xi32, #tpu.memory_space<vmem>>
      %dma_start3A_151 = tpu.memref_squeeze %dma_start3A_150 : memref<1x50xi32, #tpu.memory_space<vmem>> -> memref<50xi32, #tpu.memory_space<vmem>>
      %dma_start3A_152 = arith.constant 0 : i32
      %dma_start3A_153 = arith.constant 0 : i32
      %dma_start3A_154 = tpu.memref_slice %arg3[%dma_start3A_152, %dma_start3A_153] : memref<1000000x64xf32, #tpu.memory_space<hbm>> -> memref<1000000x64xf32, #tpu.memory_space<hbm>>
      tpu.enqueue_indirect_dma source(%dma_start3A_154 : memref<1000000x64xf32, #tpu.memory_space<hbm>>) target(%dma_start3A_148 : memref<50x64xf32, #tpu.memory_space<vmem>>) offsets(%dma_start3A_151 : memref<50xi32, #tpu.memory_space<vmem>>) semaphore(%arg7 : memref<!tpu.dma_semaphore, #tpu.memory_space<semaphore_mem>>)
      %dma_start3A_155 = arith.constant 12 : i32
      %dma_start3A_156 = arith.constant 12 : i32
      %dma_start3A_157 = arith.constant 0 : i32
      %dma_start3A_158 = arith.constant 0 : i32
      %dma_start3A_159 = tpu.memref_slice %arg6[%dma_start3A_156, %dma_start3A_157, %dma_start3A_158] : memref<32x50x64xf32, #tpu.memory_space<vmem>> -> memref<1x50x64xf32, #tpu.memory_space<vmem>>
      %dma_start3A_160 = tpu.memref_squeeze %dma_start3A_159 : memref<1x50x64xf32, #tpu.memory_space<vmem>> -> memref<50x64xf32, #tpu.memory_space<vmem>>
      %dma_start3A_161 = arith.constant 0 : i32
      %dma_start3A_162 = tpu.memref_slice %arg5[%dma_start3A_155, %dma_start3A_161] : memref<32x50xi32, #tpu.memory_space<vmem>> -> memref<1x50xi32, #tpu.memory_space<vmem>>
      %dma_start3A_163 = tpu.memref_squeeze %dma_start3A_162 : memref<1x50xi32, #tpu.memory_space<vmem>> -> memref<50xi32, #tpu.memory_space<vmem>>
      %dma_start3A_164 = arith.constant 0 : i32
      %dma_start3A_165 = arith.constant 0 : i32
      %dma_start3A_166 = tpu.memref_slice %arg3[%dma_start3A_164, %dma_start3A_165] : memref<1000000x64xf32, #tpu.memory_space<hbm>> -> memref<1000000x64xf32, #tpu.memory_space<hbm>>
      tpu.enqueue_indirect_dma source(%dma_start3A_166 : memref<1000000x64xf32, #tpu.memory_space<hbm>>) target(%dma_start3A_160 : memref<50x64xf32, #tpu.memory_space<vmem>>) offsets(%dma_start3A_163 : memref<50xi32, #tpu.memory_space<vmem>>) semaphore(%arg7 : memref<!tpu.dma_semaphore, #tpu.memory_space<semaphore_mem>>)
      %dma_start3A_167 = arith.constant 13 : i32
      %dma_start3A_168 = arith.constant 13 : i32
      %dma_start3A_169 = arith.constant 0 : i32
      %dma_start3A_170 = arith.constant 0 : i32
      %dma_start3A_171 = tpu.memref_slice %arg6[%dma_start3A_168, %dma_start3A_169, %dma_start3A_170] : memref<32x50x64xf32, #tpu.memory_space<vmem>> -> memref<1x50x64xf32, #tpu.memory_space<vmem>>
      %dma_start3A_172 = tpu.memref_squeeze %dma_start3A_171 : memref<1x50x64xf32, #tpu.memory_space<vmem>> -> memref<50x64xf32, #tpu.memory_space<vmem>>
      %dma_start3A_173 = arith.constant 0 : i32
      %dma_start3A_174 = tpu.memref_slice %arg5[%dma_start3A_167, %dma_start3A_173] : memref<32x50xi32, #tpu.memory_space<vmem>> -> memref<1x50xi32, #tpu.memory_space<vmem>>
      %dma_start3A_175 = tpu.memref_squeeze %dma_start3A_174 : memref<1x50xi32, #tpu.memory_space<vmem>> -> memref<50xi32, #tpu.memory_space<vmem>>
      %dma_start3A_176 = arith.constant 0 : i32
      %dma_start3A_177 = arith.constant 0 : i32
      %dma_start3A_178 = tpu.memref_slice %arg3[%dma_start3A_176, %dma_start3A_177] : memref<1000000x64xf32, #tpu.memory_space<hbm>> -> memref<1000000x64xf32, #tpu.memory_space<hbm>>
      tpu.enqueue_indirect_dma source(%dma_start3A_178 : memref<1000000x64xf32, #tpu.memory_space<hbm>>) target(%dma_start3A_172 : memref<50x64xf32, #tpu.memory_space<vmem>>) offsets(%dma_start3A_175 : memref<50xi32, #tpu.memory_space<vmem>>) semaphore(%arg7 : memref<!tpu.dma_semaphore, #tpu.memory_space<semaphore_mem>>)
      %dma_start3A_179 = arith.constant 14 : i32
      %dma_start3A_180 = arith.constant 14 : i32
      %dma_start3A_181 = arith.constant 0 : i32
      %dma_start3A_182 = arith.constant 0 : i32
      %dma_start3A_183 = tpu.memref_slice %arg6[%dma_start3A_180, %dma_start3A_181, %dma_start3A_182] : memref<32x50x64xf32, #tpu.memory_space<vmem>> -> memref<1x50x64xf32, #tpu.memory_space<vmem>>
      %dma_start3A_184 = tpu.memref_squeeze %dma_start3A_183 : memref<1x50x64xf32, #tpu.memory_space<vmem>> -> memref<50x64xf32, #tpu.memory_space<vmem>>
      %dma_start3A_185 = arith.constant 0 : i32
      %dma_start3A_186 = tpu.memref_slice %arg5[%dma_start3A_179, %dma_start3A_185] : memref<32x50xi32, #tpu.memory_space<vmem>> -> memref<1x50xi32, #tpu.memory_space<vmem>>
      %dma_start3A_187 = tpu.memref_squeeze %dma_start3A_186 : memref<1x50xi32, #tpu.memory_space<vmem>> -> memref<50xi32, #tpu.memory_space<vmem>>
      %dma_start3A_188 = arith.constant 0 : i32
      %dma_start3A_189 = arith.constant 0 : i32
      %dma_start3A_190 = tpu.memref_slice %arg3[%dma_start3A_188, %dma_start3A_189] : memref<1000000x64xf32, #tpu.memory_space<hbm>> -> memref<1000000x64xf32, #tpu.memory_space<hbm>>
      tpu.enqueue_indirect_dma source(%dma_start3A_190 : memref<1000000x64xf32, #tpu.memory_space<hbm>>) target(%dma_start3A_184 : memref<50x64xf32, #tpu.memory_space<vmem>>) offsets(%dma_start3A_187 : memref<50xi32, #tpu.memory_space<vmem>>) semaphore(%arg7 : memref<!tpu.dma_semaphore, #tpu.memory_space<semaphore_mem>>)
      %dma_start3A_191 = arith.constant 15 : i32
      %dma_start3A_192 = arith.constant 15 : i32
      %dma_start3A_193 = arith.constant 0 : i32
      %dma_start3A_194 = arith.constant 0 : i32
      %dma_start3A_195 = tpu.memref_slice %arg6[%dma_start3A_192, %dma_start3A_193, %dma_start3A_194] : memref<32x50x64xf32, #tpu.memory_space<vmem>> -> memref<1x50x64xf32, #tpu.memory_space<vmem>>
      %dma_start3A_196 = tpu.memref_squeeze %dma_start3A_195 : memref<1x50x64xf32, #tpu.memory_space<vmem>> -> memref<50x64xf32, #tpu.memory_space<vmem>>
      %dma_start3A_197 = arith.constant 0 : i32
      %dma_start3A_198 = tpu.memref_slice %arg5[%dma_start3A_191, %dma_start3A_197] : memref<32x50xi32, #tpu.memory_space<vmem>> -> memref<1x50xi32, #tpu.memory_space<vmem>>
      %dma_start3A_199 = tpu.memref_squeeze %dma_start3A_198 : memref<1x50xi32, #tpu.memory_space<vmem>> -> memref<50xi32, #tpu.memory_space<vmem>>
      %dma_start3A_200 = arith.constant 0 : i32
      %dma_start3A_201 = arith.constant 0 : i32
      %dma_start3A_202 = tpu.memref_slice %arg3[%dma_start3A_200, %dma_start3A_201] : memref<1000000x64xf32, #tpu.memory_space<hbm>> -> memref<1000000x64xf32, #tpu.memory_space<hbm>>
      tpu.enqueue_indirect_dma source(%dma_start3A_202 : memref<1000000x64xf32, #tpu.memory_space<hbm>>) target(%dma_start3A_196 : memref<50x64xf32, #tpu.memory_space<vmem>>) offsets(%dma_start3A_199 : memref<50xi32, #tpu.memory_space<vmem>>) semaphore(%arg7 : memref<!tpu.dma_semaphore, #tpu.memory_space<semaphore_mem>>)
      %dma_start3A_203 = arith.constant 16 : i32
      %dma_start3A_204 = arith.constant 16 : i32
      %dma_start3A_205 = arith.constant 0 : i32
      %dma_start3A_206 = arith.constant 0 : i32
      %dma_start3A_207 = tpu.memref_slice %arg6[%dma_start3A_204, %dma_start3A_205, %dma_start3A_206] : memref<32x50x64xf32, #tpu.memory_space<vmem>> -> memref<1x50x64xf32, #tpu.memory_space<vmem>>
      %dma_start3A_208 = tpu.memref_squeeze %dma_start3A_207 : memref<1x50x64xf32, #tpu.memory_space<vmem>> -> memref<50x64xf32, #tpu.memory_space<vmem>>
      %dma_start3A_209 = arith.constant 0 : i32
      %dma_start3A_210 = tpu.memref_slice %arg5[%dma_start3A_203, %dma_start3A_209] : memref<32x50xi32, #tpu.memory_space<vmem>> -> memref<1x50xi32, #tpu.memory_space<vmem>>
      %dma_start3A_211 = tpu.memref_squeeze %dma_start3A_210 : memref<1x50xi32, #tpu.memory_space<vmem>> -> memref<50xi32, #tpu.memory_space<vmem>>
      %dma_start3A_212 = arith.constant 0 : i32
      %dma_start3A_213 = arith.constant 0 : i32
      %dma_start3A_214 = tpu.memref_slice %arg3[%dma_start3A_212, %dma_start3A_213] : memref<1000000x64xf32, #tpu.memory_space<hbm>> -> memref<1000000x64xf32, #tpu.memory_space<hbm>>
      tpu.enqueue_indirect_dma source(%dma_start3A_214 : memref<1000000x64xf32, #tpu.memory_space<hbm>>) target(%dma_start3A_208 : memref<50x64xf32, #tpu.memory_space<vmem>>) offsets(%dma_start3A_211 : memref<50xi32, #tpu.memory_space<vmem>>) semaphore(%arg7 : memref<!tpu.dma_semaphore, #tpu.memory_space<semaphore_mem>>)
      %dma_start3A_215 = arith.constant 17 : i32
      %dma_start3A_216 = arith.constant 17 : i32
      %dma_start3A_217 = arith.constant 0 : i32
      %dma_start3A_218 = arith.constant 0 : i32
      %dma_start3A_219 = tpu.memref_slice %arg6[%dma_start3A_216, %dma_start3A_217, %dma_start3A_218] : memref<32x50x64xf32, #tpu.memory_space<vmem>> -> memref<1x50x64xf32, #tpu.memory_space<vmem>>
      %dma_start3A_220 = tpu.memref_squeeze %dma_start3A_219 : memref<1x50x64xf32, #tpu.memory_space<vmem>> -> memref<50x64xf32, #tpu.memory_space<vmem>>
      %dma_start3A_221 = arith.constant 0 : i32
      %dma_start3A_222 = tpu.memref_slice %arg5[%dma_start3A_215, %dma_start3A_221] : memref<32x50xi32, #tpu.memory_space<vmem>> -> memref<1x50xi32, #tpu.memory_space<vmem>>
      %dma_start3A_223 = tpu.memref_squeeze %dma_start3A_222 : memref<1x50xi32, #tpu.memory_space<vmem>> -> memref<50xi32, #tpu.memory_space<vmem>>
      %dma_start3A_224 = arith.constant 0 : i32
      %dma_start3A_225 = arith.constant 0 : i32
      %dma_start3A_226 = tpu.memref_slice %arg3[%dma_start3A_224, %dma_start3A_225] : memref<1000000x64xf32, #tpu.memory_space<hbm>> -> memref<1000000x64xf32, #tpu.memory_space<hbm>>
      tpu.enqueue_indirect_dma source(%dma_start3A_226 : memref<1000000x64xf32, #tpu.memory_space<hbm>>) target(%dma_start3A_220 : memref<50x64xf32, #tpu.memory_space<vmem>>) offsets(%dma_start3A_223 : memref<50xi32, #tpu.memory_space<vmem>>) semaphore(%arg7 : memref<!tpu.dma_semaphore, #tpu.memory_space<semaphore_mem>>)
      %dma_start3A_227 = arith.constant 18 : i32
      %dma_start3A_228 = arith.constant 18 : i32
      %dma_start3A_229 = arith.constant 0 : i32
      %dma_start3A_230 = arith.constant 0 : i32
      %dma_start3A_231 = tpu.memref_slice %arg6[%dma_start3A_228, %dma_start3A_229, %dma_start3A_230] : memref<32x50x64xf32, #tpu.memory_space<vmem>> -> memref<1x50x64xf32, #tpu.memory_space<vmem>>
      %dma_start3A_232 = tpu.memref_squeeze %dma_start3A_231 : memref<1x50x64xf32, #tpu.memory_space<vmem>> -> memref<50x64xf32, #tpu.memory_space<vmem>>
      %dma_start3A_233 = arith.constant 0 : i32
      %dma_start3A_234 = tpu.memref_slice %arg5[%dma_start3A_227, %dma_start3A_233] : memref<32x50xi32, #tpu.memory_space<vmem>> -> memref<1x50xi32, #tpu.memory_space<vmem>>
      %dma_start3A_235 = tpu.memref_squeeze %dma_start3A_234 : memref<1x50xi32, #tpu.memory_space<vmem>> -> memref<50xi32, #tpu.memory_space<vmem>>
      %dma_start3A_236 = arith.constant 0 : i32
      %dma_start3A_237 = arith.constant 0 : i32
      %dma_start3A_238 = tpu.memref_slice %arg3[%dma_start3A_236, %dma_start3A_237] : memref<1000000x64xf32, #tpu.memory_space<hbm>> -> memref<1000000x64xf32, #tpu.memory_space<hbm>>
      tpu.enqueue_indirect_dma source(%dma_start3A_238 : memref<1000000x64xf32, #tpu.memory_space<hbm>>) target(%dma_start3A_232 : memref<50x64xf32, #tpu.memory_space<vmem>>) offsets(%dma_start3A_235 : memref<50xi32, #tpu.memory_space<vmem>>) semaphore(%arg7 : memref<!tpu.dma_semaphore, #tpu.memory_space<semaphore_mem>>)
      %dma_start3A_239 = arith.constant 19 : i32
      %dma_start3A_240 = arith.constant 19 : i32
      %dma_start3A_241 = arith.constant 0 : i32
      %dma_start3A_242 = arith.constant 0 : i32
      %dma_start3A_243 = tpu.memref_slice %arg6[%dma_start3A_240, %dma_start3A_241, %dma_start3A_242] : memref<32x50x64xf32, #tpu.memory_space<vmem>> -> memref<1x50x64xf32, #tpu.memory_space<vmem>>
      %dma_start3A_244 = tpu.memref_squeeze %dma_start3A_243 : memref<1x50x64xf32, #tpu.memory_space<vmem>> -> memref<50x64xf32, #tpu.memory_space<vmem>>
      %dma_start3A_245 = arith.constant 0 : i32
      %dma_start3A_246 = tpu.memref_slice %arg5[%dma_start3A_239, %dma_start3A_245] : memref<32x50xi32, #tpu.memory_space<vmem>> -> memref<1x50xi32, #tpu.memory_space<vmem>>
      %dma_start3A_247 = tpu.memref_squeeze %dma_start3A_246 : memref<1x50xi32, #tpu.memory_space<vmem>> -> memref<50xi32, #tpu.memory_space<vmem>>
      %dma_start3A_248 = arith.constant 0 : i32
      %dma_start3A_249 = arith.constant 0 : i32
      %dma_start3A_250 = tpu.memref_slice %arg3[%dma_start3A_248, %dma_start3A_249] : memref<1000000x64xf32, #tpu.memory_space<hbm>> -> memref<1000000x64xf32, #tpu.memory_space<hbm>>
      tpu.enqueue_indirect_dma source(%dma_start3A_250 : memref<1000000x64xf32, #tpu.memory_space<hbm>>) target(%dma_start3A_244 : memref<50x64xf32, #tpu.memory_space<vmem>>) offsets(%dma_start3A_247 : memref<50xi32, #tpu.memory_space<vmem>>) semaphore(%arg7 : memref<!tpu.dma_semaphore, #tpu.memory_space<semaphore_mem>>)
      %dma_start3A_251 = arith.constant 20 : i32
      %dma_start3A_252 = arith.constant 20 : i32
      %dma_start3A_253 = arith.constant 0 : i32
      %dma_start3A_254 = arith.constant 0 : i32
      %dma_start3A_255 = tpu.memref_slice %arg6[%dma_start3A_252, %dma_start3A_253, %dma_start3A_254] : memref<32x50x64xf32, #tpu.memory_space<vmem>> -> memref<1x50x64xf32, #tpu.memory_space<vmem>>
      %dma_start3A_256 = tpu.memref_squeeze %dma_start3A_255 : memref<1x50x64xf32, #tpu.memory_space<vmem>> -> memref<50x64xf32, #tpu.memory_space<vmem>>
      %dma_start3A_257 = arith.constant 0 : i32
      %dma_start3A_258 = tpu.memref_slice %arg5[%dma_start3A_251, %dma_start3A_257] : memref<32x50xi32, #tpu.memory_space<vmem>> -> memref<1x50xi32, #tpu.memory_space<vmem>>
      %dma_start3A_259 = tpu.memref_squeeze %dma_start3A_258 : memref<1x50xi32, #tpu.memory_space<vmem>> -> memref<50xi32, #tpu.memory_space<vmem>>
      %dma_start3A_260 = arith.constant 0 : i32
      %dma_start3A_261 = arith.constant 0 : i32
      %dma_start3A_262 = tpu.memref_slice %arg3[%dma_start3A_260, %dma_start3A_261] : memref<1000000x64xf32, #tpu.memory_space<hbm>> -> memref<1000000x64xf32, #tpu.memory_space<hbm>>
      tpu.enqueue_indirect_dma source(%dma_start3A_262 : memref<1000000x64xf32, #tpu.memory_space<hbm>>) target(%dma_start3A_256 : memref<50x64xf32, #tpu.memory_space<vmem>>) offsets(%dma_start3A_259 : memref<50xi32, #tpu.memory_space<vmem>>) semaphore(%arg7 : memref<!tpu.dma_semaphore, #tpu.memory_space<semaphore_mem>>)
      %dma_start3A_263 = arith.constant 21 : i32
      %dma_start3A_264 = arith.constant 21 : i32
      %dma_start3A_265 = arith.constant 0 : i32
      %dma_start3A_266 = arith.constant 0 : i32
      %dma_start3A_267 = tpu.memref_slice %arg6[%dma_start3A_264, %dma_start3A_265, %dma_start3A_266] : memref<32x50x64xf32, #tpu.memory_space<vmem>> -> memref<1x50x64xf32, #tpu.memory_space<vmem>>
      %dma_start3A_268 = tpu.memref_squeeze %dma_start3A_267 : memref<1x50x64xf32, #tpu.memory_space<vmem>> -> memref<50x64xf32, #tpu.memory_space<vmem>>
      %dma_start3A_269 = arith.constant 0 : i32
      %dma_start3A_270 = tpu.memref_slice %arg5[%dma_start3A_263, %dma_start3A_269] : memref<32x50xi32, #tpu.memory_space<vmem>> -> memref<1x50xi32, #tpu.memory_space<vmem>>
      %dma_start3A_271 = tpu.memref_squeeze %dma_start3A_270 : memref<1x50xi32, #tpu.memory_space<vmem>> -> memref<50xi32, #tpu.memory_space<vmem>>
      %dma_start3A_272 = arith.constant 0 : i32
      %dma_start3A_273 = arith.constant 0 : i32
      %dma_start3A_274 = tpu.memref_slice %arg3[%dma_start3A_272, %dma_start3A_273] : memref<1000000x64xf32, #tpu.memory_space<hbm>> -> memref<1000000x64xf32, #tpu.memory_space<hbm>>
      tpu.enqueue_indirect_dma source(%dma_start3A_274 : memref<1000000x64xf32, #tpu.memory_space<hbm>>) target(%dma_start3A_268 : memref<50x64xf32, #tpu.memory_space<vmem>>) offsets(%dma_start3A_271 : memref<50xi32, #tpu.memory_space<vmem>>) semaphore(%arg7 : memref<!tpu.dma_semaphore, #tpu.memory_space<semaphore_mem>>)
      %dma_start3A_275 = arith.constant 22 : i32
      %dma_start3A_276 = arith.constant 22 : i32
      %dma_start3A_277 = arith.constant 0 : i32
      %dma_start3A_278 = arith.constant 0 : i32
      %dma_start3A_279 = tpu.memref_slice %arg6[%dma_start3A_276, %dma_start3A_277, %dma_start3A_278] : memref<32x50x64xf32, #tpu.memory_space<vmem>> -> memref<1x50x64xf32, #tpu.memory_space<vmem>>
      %dma_start3A_280 = tpu.memref_squeeze %dma_start3A_279 : memref<1x50x64xf32, #tpu.memory_space<vmem>> -> memref<50x64xf32, #tpu.memory_space<vmem>>
      %dma_start3A_281 = arith.constant 0 : i32
      %dma_start3A_282 = tpu.memref_slice %arg5[%dma_start3A_275, %dma_start3A_281] : memref<32x50xi32, #tpu.memory_space<vmem>> -> memref<1x50xi32, #tpu.memory_space<vmem>>
      %dma_start3A_283 = tpu.memref_squeeze %dma_start3A_282 : memref<1x50xi32, #tpu.memory_space<vmem>> -> memref<50xi32, #tpu.memory_space<vmem>>
      %dma_start3A_284 = arith.constant 0 : i32
      %dma_start3A_285 = arith.constant 0 : i32
      %dma_start3A_286 = tpu.memref_slice %arg3[%dma_start3A_284, %dma_start3A_285] : memref<1000000x64xf32, #tpu.memory_space<hbm>> -> memref<1000000x64xf32, #tpu.memory_space<hbm>>
      tpu.enqueue_indirect_dma source(%dma_start3A_286 : memref<1000000x64xf32, #tpu.memory_space<hbm>>) target(%dma_start3A_280 : memref<50x64xf32, #tpu.memory_space<vmem>>) offsets(%dma_start3A_283 : memref<50xi32, #tpu.memory_space<vmem>>) semaphore(%arg7 : memref<!tpu.dma_semaphore, #tpu.memory_space<semaphore_mem>>)
      %dma_start3A_287 = arith.constant 23 : i32
      %dma_start3A_288 = arith.constant 23 : i32
      %dma_start3A_289 = arith.constant 0 : i32
      %dma_start3A_290 = arith.constant 0 : i32
      %dma_start3A_291 = tpu.memref_slice %arg6[%dma_start3A_288, %dma_start3A_289, %dma_start3A_290] : memref<32x50x64xf32, #tpu.memory_space<vmem>> -> memref<1x50x64xf32, #tpu.memory_space<vmem>>
      %dma_start3A_292 = tpu.memref_squeeze %dma_start3A_291 : memref<1x50x64xf32, #tpu.memory_space<vmem>> -> memref<50x64xf32, #tpu.memory_space<vmem>>
      %dma_start3A_293 = arith.constant 0 : i32
      %dma_start3A_294 = tpu.memref_slice %arg5[%dma_start3A_287, %dma_start3A_293] : memref<32x50xi32, #tpu.memory_space<vmem>> -> memref<1x50xi32, #tpu.memory_space<vmem>>
      %dma_start3A_295 = tpu.memref_squeeze %dma_start3A_294 : memref<1x50xi32, #tpu.memory_space<vmem>> -> memref<50xi32, #tpu.memory_space<vmem>>
      %dma_start3A_296 = arith.constant 0 : i32
      %dma_start3A_297 = arith.constant 0 : i32
      %dma_start3A_298 = tpu.memref_slice %arg3[%dma_start3A_296, %dma_start3A_297] : memref<1000000x64xf32, #tpu.memory_space<hbm>> -> memref<1000000x64xf32, #tpu.memory_space<hbm>>
      tpu.enqueue_indirect_dma source(%dma_start3A_298 : memref<1000000x64xf32, #tpu.memory_space<hbm>>) target(%dma_start3A_292 : memref<50x64xf32, #tpu.memory_space<vmem>>) offsets(%dma_start3A_295 : memref<50xi32, #tpu.memory_space<vmem>>) semaphore(%arg7 : memref<!tpu.dma_semaphore, #tpu.memory_space<semaphore_mem>>)
      %dma_start3A_299 = arith.constant 24 : i32
      %dma_start3A_300 = arith.constant 24 : i32
      %dma_start3A_301 = arith.constant 0 : i32
      %dma_start3A_302 = arith.constant 0 : i32
      %dma_start3A_303 = tpu.memref_slice %arg6[%dma_start3A_300, %dma_start3A_301, %dma_start3A_302] : memref<32x50x64xf32, #tpu.memory_space<vmem>> -> memref<1x50x64xf32, #tpu.memory_space<vmem>>
      %dma_start3A_304 = tpu.memref_squeeze %dma_start3A_303 : memref<1x50x64xf32, #tpu.memory_space<vmem>> -> memref<50x64xf32, #tpu.memory_space<vmem>>
      %dma_start3A_305 = arith.constant 0 : i32
      %dma_start3A_306 = tpu.memref_slice %arg5[%dma_start3A_299, %dma_start3A_305] : memref<32x50xi32, #tpu.memory_space<vmem>> -> memref<1x50xi32, #tpu.memory_space<vmem>>
      %dma_start3A_307 = tpu.memref_squeeze %dma_start3A_306 : memref<1x50xi32, #tpu.memory_space<vmem>> -> memref<50xi32, #tpu.memory_space<vmem>>
      %dma_start3A_308 = arith.constant 0 : i32
      %dma_start3A_309 = arith.constant 0 : i32
      %dma_start3A_310 = tpu.memref_slice %arg3[%dma_start3A_308, %dma_start3A_309] : memref<1000000x64xf32, #tpu.memory_space<hbm>> -> memref<1000000x64xf32, #tpu.memory_space<hbm>>
      tpu.enqueue_indirect_dma source(%dma_start3A_310 : memref<1000000x64xf32, #tpu.memory_space<hbm>>) target(%dma_start3A_304 : memref<50x64xf32, #tpu.memory_space<vmem>>) offsets(%dma_start3A_307 : memref<50xi32, #tpu.memory_space<vmem>>) semaphore(%arg7 : memref<!tpu.dma_semaphore, #tpu.memory_space<semaphore_mem>>)
      %dma_start3A_311 = arith.constant 25 : i32
      %dma_start3A_312 = arith.constant 25 : i32
      %dma_start3A_313 = arith.constant 0 : i32
      %dma_start3A_314 = arith.constant 0 : i32
      %dma_start3A_315 = tpu.memref_slice %arg6[%dma_start3A_312, %dma_start3A_313, %dma_start3A_314] : memref<32x50x64xf32, #tpu.memory_space<vmem>> -> memref<1x50x64xf32, #tpu.memory_space<vmem>>
      %dma_start3A_316 = tpu.memref_squeeze %dma_start3A_315 : memref<1x50x64xf32, #tpu.memory_space<vmem>> -> memref<50x64xf32, #tpu.memory_space<vmem>>
      %dma_start3A_317 = arith.constant 0 : i32
      %dma_start3A_318 = tpu.memref_slice %arg5[%dma_start3A_311, %dma_start3A_317] : memref<32x50xi32, #tpu.memory_space<vmem>> -> memref<1x50xi32, #tpu.memory_space<vmem>>
      %dma_start3A_319 = tpu.memref_squeeze %dma_start3A_318 : memref<1x50xi32, #tpu.memory_space<vmem>> -> memref<50xi32, #tpu.memory_space<vmem>>
      %dma_start3A_320 = arith.constant 0 : i32
      %dma_start3A_321 = arith.constant 0 : i32
      %dma_start3A_322 = tpu.memref_slice %arg3[%dma_start3A_320, %dma_start3A_321] : memref<1000000x64xf32, #tpu.memory_space<hbm>> -> memref<1000000x64xf32, #tpu.memory_space<hbm>>
      tpu.enqueue_indirect_dma source(%dma_start3A_322 : memref<1000000x64xf32, #tpu.memory_space<hbm>>) target(%dma_start3A_316 : memref<50x64xf32, #tpu.memory_space<vmem>>) offsets(%dma_start3A_319 : memref<50xi32, #tpu.memory_space<vmem>>) semaphore(%arg7 : memref<!tpu.dma_semaphore, #tpu.memory_space<semaphore_mem>>)
      %dma_start3A_323 = arith.constant 26 : i32
      %dma_start3A_324 = arith.constant 26 : i32
      %dma_start3A_325 = arith.constant 0 : i32
      %dma_start3A_326 = arith.constant 0 : i32
      %dma_start3A_327 = tpu.memref_slice %arg6[%dma_start3A_324, %dma_start3A_325, %dma_start3A_326] : memref<32x50x64xf32, #tpu.memory_space<vmem>> -> memref<1x50x64xf32, #tpu.memory_space<vmem>>
      %dma_start3A_328 = tpu.memref_squeeze %dma_start3A_327 : memref<1x50x64xf32, #tpu.memory_space<vmem>> -> memref<50x64xf32, #tpu.memory_space<vmem>>
      %dma_start3A_329 = arith.constant 0 : i32
      %dma_start3A_330 = tpu.memref_slice %arg5[%dma_start3A_323, %dma_start3A_329] : memref<32x50xi32, #tpu.memory_space<vmem>> -> memref<1x50xi32, #tpu.memory_space<vmem>>
      %dma_start3A_331 = tpu.memref_squeeze %dma_start3A_330 : memref<1x50xi32, #tpu.memory_space<vmem>> -> memref<50xi32, #tpu.memory_space<vmem>>
      %dma_start3A_332 = arith.constant 0 : i32
      %dma_start3A_333 = arith.constant 0 : i32
      %dma_start3A_334 = tpu.memref_slice %arg3[%dma_start3A_332, %dma_start3A_333] : memref<1000000x64xf32, #tpu.memory_space<hbm>> -> memref<1000000x64xf32, #tpu.memory_space<hbm>>
      tpu.enqueue_indirect_dma source(%dma_start3A_334 : memref<1000000x64xf32, #tpu.memory_space<hbm>>) target(%dma_start3A_328 : memref<50x64xf32, #tpu.memory_space<vmem>>) offsets(%dma_start3A_331 : memref<50xi32, #tpu.memory_space<vmem>>) semaphore(%arg7 : memref<!tpu.dma_semaphore, #tpu.memory_space<semaphore_mem>>)
      %dma_start3A_335 = arith.constant 27 : i32
      %dma_start3A_336 = arith.constant 27 : i32
      %dma_start3A_337 = arith.constant 0 : i32
      %dma_start3A_338 = arith.constant 0 : i32
      %dma_start3A_339 = tpu.memref_slice %arg6[%dma_start3A_336, %dma_start3A_337, %dma_start3A_338] : memref<32x50x64xf32, #tpu.memory_space<vmem>> -> memref<1x50x64xf32, #tpu.memory_space<vmem>>
      %dma_start3A_340 = tpu.memref_squeeze %dma_start3A_339 : memref<1x50x64xf32, #tpu.memory_space<vmem>> -> memref<50x64xf32, #tpu.memory_space<vmem>>
      %dma_start3A_341 = arith.constant 0 : i32
      %dma_start3A_342 = tpu.memref_slice %arg5[%dma_start3A_335, %dma_start3A_341] : memref<32x50xi32, #tpu.memory_space<vmem>> -> memref<1x50xi32, #tpu.memory_space<vmem>>
      %dma_start3A_343 = tpu.memref_squeeze %dma_start3A_342 : memref<1x50xi32, #tpu.memory_space<vmem>> -> memref<50xi32, #tpu.memory_space<vmem>>
      %dma_start3A_344 = arith.constant 0 : i32
      %dma_start3A_345 = arith.constant 0 : i32
      %dma_start3A_346 = tpu.memref_slice %arg3[%dma_start3A_344, %dma_start3A_345] : memref<1000000x64xf32, #tpu.memory_space<hbm>> -> memref<1000000x64xf32, #tpu.memory_space<hbm>>
      tpu.enqueue_indirect_dma source(%dma_start3A_346 : memref<1000000x64xf32, #tpu.memory_space<hbm>>) target(%dma_start3A_340 : memref<50x64xf32, #tpu.memory_space<vmem>>) offsets(%dma_start3A_343 : memref<50xi32, #tpu.memory_space<vmem>>) semaphore(%arg7 : memref<!tpu.dma_semaphore, #tpu.memory_space<semaphore_mem>>)
      %dma_start3A_347 = arith.constant 28 : i32
      %dma_start3A_348 = arith.constant 28 : i32
      %dma_start3A_349 = arith.constant 0 : i32
      %dma_start3A_350 = arith.constant 0 : i32
      %dma_start3A_351 = tpu.memref_slice %arg6[%dma_start3A_348, %dma_start3A_349, %dma_start3A_350] : memref<32x50x64xf32, #tpu.memory_space<vmem>> -> memref<1x50x64xf32, #tpu.memory_space<vmem>>
      %dma_start3A_352 = tpu.memref_squeeze %dma_start3A_351 : memref<1x50x64xf32, #tpu.memory_space<vmem>> -> memref<50x64xf32, #tpu.memory_space<vmem>>
      %dma_start3A_353 = arith.constant 0 : i32
      %dma_start3A_354 = tpu.memref_slice %arg5[%dma_start3A_347, %dma_start3A_353] : memref<32x50xi32, #tpu.memory_space<vmem>> -> memref<1x50xi32, #tpu.memory_space<vmem>>
      %dma_start3A_355 = tpu.memref_squeeze %dma_start3A_354 : memref<1x50xi32, #tpu.memory_space<vmem>> -> memref<50xi32, #tpu.memory_space<vmem>>
      %dma_start3A_356 = arith.constant 0 : i32
      %dma_start3A_357 = arith.constant 0 : i32
      %dma_start3A_358 = tpu.memref_slice %arg3[%dma_start3A_356, %dma_start3A_357] : memref<1000000x64xf32, #tpu.memory_space<hbm>> -> memref<1000000x64xf32, #tpu.memory_space<hbm>>
      tpu.enqueue_indirect_dma source(%dma_start3A_358 : memref<1000000x64xf32, #tpu.memory_space<hbm>>) target(%dma_start3A_352 : memref<50x64xf32, #tpu.memory_space<vmem>>) offsets(%dma_start3A_355 : memref<50xi32, #tpu.memory_space<vmem>>) semaphore(%arg7 : memref<!tpu.dma_semaphore, #tpu.memory_space<semaphore_mem>>)
      %dma_start3A_359 = arith.constant 29 : i32
      %dma_start3A_360 = arith.constant 29 : i32
      %dma_start3A_361 = arith.constant 0 : i32
      %dma_start3A_362 = arith.constant 0 : i32
      %dma_start3A_363 = tpu.memref_slice %arg6[%dma_start3A_360, %dma_start3A_361, %dma_start3A_362] : memref<32x50x64xf32, #tpu.memory_space<vmem>> -> memref<1x50x64xf32, #tpu.memory_space<vmem>>
      %dma_start3A_364 = tpu.memref_squeeze %dma_start3A_363 : memref<1x50x64xf32, #tpu.memory_space<vmem>> -> memref<50x64xf32, #tpu.memory_space<vmem>>
      %dma_start3A_365 = arith.constant 0 : i32
      %dma_start3A_366 = tpu.memref_slice %arg5[%dma_start3A_359, %dma_start3A_365] : memref<32x50xi32, #tpu.memory_space<vmem>> -> memref<1x50xi32, #tpu.memory_space<vmem>>
      %dma_start3A_367 = tpu.memref_squeeze %dma_start3A_366 : memref<1x50xi32, #tpu.memory_space<vmem>> -> memref<50xi32, #tpu.memory_space<vmem>>
      %dma_start3A_368 = arith.constant 0 : i32
      %dma_start3A_369 = arith.constant 0 : i32
      %dma_start3A_370 = tpu.memref_slice %arg3[%dma_start3A_368, %dma_start3A_369] : memref<1000000x64xf32, #tpu.memory_space<hbm>> -> memref<1000000x64xf32, #tpu.memory_space<hbm>>
      tpu.enqueue_indirect_dma source(%dma_start3A_370 : memref<1000000x64xf32, #tpu.memory_space<hbm>>) target(%dma_start3A_364 : memref<50x64xf32, #tpu.memory_space<vmem>>) offsets(%dma_start3A_367 : memref<50xi32, #tpu.memory_space<vmem>>) semaphore(%arg7 : memref<!tpu.dma_semaphore, #tpu.memory_space<semaphore_mem>>)
      %dma_start3A_371 = arith.constant 30 : i32
      %dma_start3A_372 = arith.constant 30 : i32
      %dma_start3A_373 = arith.constant 0 : i32
      %dma_start3A_374 = arith.constant 0 : i32
      %dma_start3A_375 = tpu.memref_slice %arg6[%dma_start3A_372, %dma_start3A_373, %dma_start3A_374] : memref<32x50x64xf32, #tpu.memory_space<vmem>> -> memref<1x50x64xf32, #tpu.memory_space<vmem>>
      %dma_start3A_376 = tpu.memref_squeeze %dma_start3A_375 : memref<1x50x64xf32, #tpu.memory_space<vmem>> -> memref<50x64xf32, #tpu.memory_space<vmem>>
      %dma_start3A_377 = arith.constant 0 : i32
      %dma_start3A_378 = tpu.memref_slice %arg5[%dma_start3A_371, %dma_start3A_377] : memref<32x50xi32, #tpu.memory_space<vmem>> -> memref<1x50xi32, #tpu.memory_space<vmem>>
      %dma_start3A_379 = tpu.memref_squeeze %dma_start3A_378 : memref<1x50xi32, #tpu.memory_space<vmem>> -> memref<50xi32, #tpu.memory_space<vmem>>
      %dma_start3A_380 = arith.constant 0 : i32
      %dma_start3A_381 = arith.constant 0 : i32
      %dma_start3A_382 = tpu.memref_slice %arg3[%dma_start3A_380, %dma_start3A_381] : memref<1000000x64xf32, #tpu.memory_space<hbm>> -> memref<1000000x64xf32, #tpu.memory_space<hbm>>
      tpu.enqueue_indirect_dma source(%dma_start3A_382 : memref<1000000x64xf32, #tpu.memory_space<hbm>>) target(%dma_start3A_376 : memref<50x64xf32, #tpu.memory_space<vmem>>) offsets(%dma_start3A_379 : memref<50xi32, #tpu.memory_space<vmem>>) semaphore(%arg7 : memref<!tpu.dma_semaphore, #tpu.memory_space<semaphore_mem>>)
      %dma_start3A_383 = arith.constant 31 : i32
      %dma_start3A_384 = arith.constant 31 : i32
      %dma_start3A_385 = arith.constant 0 : i32
      %dma_start3A_386 = arith.constant 0 : i32
      %dma_start3A_387 = tpu.memref_slice %arg6[%dma_start3A_384, %dma_start3A_385, %dma_start3A_386] : memref<32x50x64xf32, #tpu.memory_space<vmem>> -> memref<1x50x64xf32, #tpu.memory_space<vmem>>
      %dma_start3A_388 = tpu.memref_squeeze %dma_start3A_387 : memref<1x50x64xf32, #tpu.memory_space<vmem>> -> memref<50x64xf32, #tpu.memory_space<vmem>>
      %dma_start3A_389 = arith.constant 0 : i32
      %dma_start3A_390 = tpu.memref_slice %arg5[%dma_start3A_383, %dma_start3A_389] : memref<32x50xi32, #tpu.memory_space<vmem>> -> memref<1x50xi32, #tpu.memory_space<vmem>>
      %dma_start3A_391 = tpu.memref_squeeze %dma_start3A_390 : memref<1x50xi32, #tpu.memory_space<vmem>> -> memref<50xi32, #tpu.memory_space<vmem>>
      %dma_start3A_392 = arith.constant 0 : i32
      %dma_start3A_393 = arith.constant 0 : i32
      %dma_start3A_394 = tpu.memref_slice %arg3[%dma_start3A_392, %dma_start3A_393] : memref<1000000x64xf32, #tpu.memory_space<hbm>> -> memref<1000000x64xf32, #tpu.memory_space<hbm>>
      tpu.enqueue_indirect_dma source(%dma_start3A_394 : memref<1000000x64xf32, #tpu.memory_space<hbm>>) target(%dma_start3A_388 : memref<50x64xf32, #tpu.memory_space<vmem>>) offsets(%dma_start3A_391 : memref<50xi32, #tpu.memory_space<vmem>>) semaphore(%arg7 : memref<!tpu.dma_semaphore, #tpu.memory_space<semaphore_mem>>)
      %dma_wait3A = arith.constant 0 : i32
      %dma_wait3A_395 = arith.constant 0 : i32
      %dma_wait3A_396 = arith.constant 0 : i32
      %dma_wait3A_397 = arith.constant 0 : i32
      %dma_wait3A_398 = tpu.memref_slice %arg6[%dma_wait3A_395, %dma_wait3A_396, %dma_wait3A_397] : memref<32x50x64xf32, #tpu.memory_space<vmem>> -> memref<1x50x64xf32, #tpu.memory_space<vmem>>
      %dma_wait3A_399 = tpu.memref_squeeze %dma_wait3A_398 : memref<1x50x64xf32, #tpu.memory_space<vmem>> -> memref<50x64xf32, #tpu.memory_space<vmem>>
      %dma_wait3A_400 = arith.constant 0 : i32
      %dma_wait3A_401 = tpu.memref_slice %arg5[%dma_wait3A, %dma_wait3A_400] : memref<32x50xi32, #tpu.memory_space<vmem>> -> memref<1x50xi32, #tpu.memory_space<vmem>>
      %dma_wait3A_402 = tpu.memref_squeeze %dma_wait3A_401 : memref<1x50xi32, #tpu.memory_space<vmem>> -> memref<50xi32, #tpu.memory_space<vmem>>
      %dma_wait3A_403 = arith.constant 0 : i32
      %dma_wait3A_404 = arith.constant 0 : i32
      %dma_wait3A_405 = tpu.memref_slice %arg3[%dma_wait3A_403, %dma_wait3A_404] : memref<1000000x64xf32, #tpu.memory_space<hbm>> -> memref<1000000x64xf32, #tpu.memory_space<hbm>>
      tpu.wait_indirect_dma semaphore(%arg7 : memref<!tpu.dma_semaphore, #tpu.memory_space<semaphore_mem>>) src(%dma_wait3A_405 : memref<1000000x64xf32, #tpu.memory_space<hbm>>) dst(%dma_wait3A_399 : memref<50x64xf32, #tpu.memory_space<vmem>>)
      %dma_wait3A_406 = arith.constant 1 : i32
      %dma_wait3A_407 = arith.constant 1 : i32
      %dma_wait3A_408 = arith.constant 0 : i32
      %dma_wait3A_409 = arith.constant 0 : i32
      %dma_wait3A_410 = tpu.memref_slice %arg6[%dma_wait3A_407, %dma_wait3A_408, %dma_wait3A_409] : memref<32x50x64xf32, #tpu.memory_space<vmem>> -> memref<1x50x64xf32, #tpu.memory_space<vmem>>
      %dma_wait3A_411 = tpu.memref_squeeze %dma_wait3A_410 : memref<1x50x64xf32, #tpu.memory_space<vmem>> -> memref<50x64xf32, #tpu.memory_space<vmem>>
      %dma_wait3A_412 = arith.constant 0 : i32
      %dma_wait3A_413 = tpu.memref_slice %arg5[%dma_wait3A_406, %dma_wait3A_412] : memref<32x50xi32, #tpu.memory_space<vmem>> -> memref<1x50xi32, #tpu.memory_space<vmem>>
      %dma_wait3A_414 = tpu.memref_squeeze %dma_wait3A_413 : memref<1x50xi32, #tpu.memory_space<vmem>> -> memref<50xi32, #tpu.memory_space<vmem>>
      %dma_wait3A_415 = arith.constant 0 : i32
      %dma_wait3A_416 = arith.constant 0 : i32
      %dma_wait3A_417 = tpu.memref_slice %arg3[%dma_wait3A_415, %dma_wait3A_416] : memref<1000000x64xf32, #tpu.memory_space<hbm>> -> memref<1000000x64xf32, #tpu.memory_space<hbm>>
      tpu.wait_indirect_dma semaphore(%arg7 : memref<!tpu.dma_semaphore, #tpu.memory_space<semaphore_mem>>) src(%dma_wait3A_417 : memref<1000000x64xf32, #tpu.memory_space<hbm>>) dst(%dma_wait3A_411 : memref<50x64xf32, #tpu.memory_space<vmem>>)
      %dma_wait3A_418 = arith.constant 2 : i32
      %dma_wait3A_419 = arith.constant 2 : i32
      %dma_wait3A_420 = arith.constant 0 : i32
      %dma_wait3A_421 = arith.constant 0 : i32
      %dma_wait3A_422 = tpu.memref_slice %arg6[%dma_wait3A_419, %dma_wait3A_420, %dma_wait3A_421] : memref<32x50x64xf32, #tpu.memory_space<vmem>> -> memref<1x50x64xf32, #tpu.memory_space<vmem>>
      %dma_wait3A_423 = tpu.memref_squeeze %dma_wait3A_422 : memref<1x50x64xf32, #tpu.memory_space<vmem>> -> memref<50x64xf32, #tpu.memory_space<vmem>>
      %dma_wait3A_424 = arith.constant 0 : i32
      %dma_wait3A_425 = tpu.memref_slice %arg5[%dma_wait3A_418, %dma_wait3A_424] : memref<32x50xi32, #tpu.memory_space<vmem>> -> memref<1x50xi32, #tpu.memory_space<vmem>>
      %dma_wait3A_426 = tpu.memref_squeeze %dma_wait3A_425 : memref<1x50xi32, #tpu.memory_space<vmem>> -> memref<50xi32, #tpu.memory_space<vmem>>
      %dma_wait3A_427 = arith.constant 0 : i32
      %dma_wait3A_428 = arith.constant 0 : i32
      %dma_wait3A_429 = tpu.memref_slice %arg3[%dma_wait3A_427, %dma_wait3A_428] : memref<1000000x64xf32, #tpu.memory_space<hbm>> -> memref<1000000x64xf32, #tpu.memory_space<hbm>>
      tpu.wait_indirect_dma semaphore(%arg7 : memref<!tpu.dma_semaphore, #tpu.memory_space<semaphore_mem>>) src(%dma_wait3A_429 : memref<1000000x64xf32, #tpu.memory_space<hbm>>) dst(%dma_wait3A_423 : memref<50x64xf32, #tpu.memory_space<vmem>>)
      %dma_wait3A_430 = arith.constant 3 : i32
      %dma_wait3A_431 = arith.constant 3 : i32
      %dma_wait3A_432 = arith.constant 0 : i32
      %dma_wait3A_433 = arith.constant 0 : i32
      %dma_wait3A_434 = tpu.memref_slice %arg6[%dma_wait3A_431, %dma_wait3A_432, %dma_wait3A_433] : memref<32x50x64xf32, #tpu.memory_space<vmem>> -> memref<1x50x64xf32, #tpu.memory_space<vmem>>
      %dma_wait3A_435 = tpu.memref_squeeze %dma_wait3A_434 : memref<1x50x64xf32, #tpu.memory_space<vmem>> -> memref<50x64xf32, #tpu.memory_space<vmem>>
      %dma_wait3A_436 = arith.constant 0 : i32
      %dma_wait3A_437 = tpu.memref_slice %arg5[%dma_wait3A_430, %dma_wait3A_436] : memref<32x50xi32, #tpu.memory_space<vmem>> -> memref<1x50xi32, #tpu.memory_space<vmem>>
      %dma_wait3A_438 = tpu.memref_squeeze %dma_wait3A_437 : memref<1x50xi32, #tpu.memory_space<vmem>> -> memref<50xi32, #tpu.memory_space<vmem>>
      %dma_wait3A_439 = arith.constant 0 : i32
      %dma_wait3A_440 = arith.constant 0 : i32
      %dma_wait3A_441 = tpu.memref_slice %arg3[%dma_wait3A_439, %dma_wait3A_440] : memref<1000000x64xf32, #tpu.memory_space<hbm>> -> memref<1000000x64xf32, #tpu.memory_space<hbm>>
      tpu.wait_indirect_dma semaphore(%arg7 : memref<!tpu.dma_semaphore, #tpu.memory_space<semaphore_mem>>) src(%dma_wait3A_441 : memref<1000000x64xf32, #tpu.memory_space<hbm>>) dst(%dma_wait3A_435 : memref<50x64xf32, #tpu.memory_space<vmem>>)
      %dma_wait3A_442 = arith.constant 4 : i32
      %dma_wait3A_443 = arith.constant 4 : i32
      %dma_wait3A_444 = arith.constant 0 : i32
      %dma_wait3A_445 = arith.constant 0 : i32
      %dma_wait3A_446 = tpu.memref_slice %arg6[%dma_wait3A_443, %dma_wait3A_444, %dma_wait3A_445] : memref<32x50x64xf32, #tpu.memory_space<vmem>> -> memref<1x50x64xf32, #tpu.memory_space<vmem>>
      %dma_wait3A_447 = tpu.memref_squeeze %dma_wait3A_446 : memref<1x50x64xf32, #tpu.memory_space<vmem>> -> memref<50x64xf32, #tpu.memory_space<vmem>>
      %dma_wait3A_448 = arith.constant 0 : i32
      %dma_wait3A_449 = tpu.memref_slice %arg5[%dma_wait3A_442, %dma_wait3A_448] : memref<32x50xi32, #tpu.memory_space<vmem>> -> memref<1x50xi32, #tpu.memory_space<vmem>>
      %dma_wait3A_450 = tpu.memref_squeeze %dma_wait3A_449 : memref<1x50xi32, #tpu.memory_space<vmem>> -> memref<50xi32, #tpu.memory_space<vmem>>
      %dma_wait3A_451 = arith.constant 0 : i32
      %dma_wait3A_452 = arith.constant 0 : i32
      %dma_wait3A_453 = tpu.memref_slice %arg3[%dma_wait3A_451, %dma_wait3A_452] : memref<1000000x64xf32, #tpu.memory_space<hbm>> -> memref<1000000x64xf32, #tpu.memory_space<hbm>>
      tpu.wait_indirect_dma semaphore(%arg7 : memref<!tpu.dma_semaphore, #tpu.memory_space<semaphore_mem>>) src(%dma_wait3A_453 : memref<1000000x64xf32, #tpu.memory_space<hbm>>) dst(%dma_wait3A_447 : memref<50x64xf32, #tpu.memory_space<vmem>>)
      %dma_wait3A_454 = arith.constant 5 : i32
      %dma_wait3A_455 = arith.constant 5 : i32
      %dma_wait3A_456 = arith.constant 0 : i32
      %dma_wait3A_457 = arith.constant 0 : i32
      %dma_wait3A_458 = tpu.memref_slice %arg6[%dma_wait3A_455, %dma_wait3A_456, %dma_wait3A_457] : memref<32x50x64xf32, #tpu.memory_space<vmem>> -> memref<1x50x64xf32, #tpu.memory_space<vmem>>
      %dma_wait3A_459 = tpu.memref_squeeze %dma_wait3A_458 : memref<1x50x64xf32, #tpu.memory_space<vmem>> -> memref<50x64xf32, #tpu.memory_space<vmem>>
      %dma_wait3A_460 = arith.constant 0 : i32
      %dma_wait3A_461 = tpu.memref_slice %arg5[%dma_wait3A_454, %dma_wait3A_460] : memref<32x50xi32, #tpu.memory_space<vmem>> -> memref<1x50xi32, #tpu.memory_space<vmem>>
      %dma_wait3A_462 = tpu.memref_squeeze %dma_wait3A_461 : memref<1x50xi32, #tpu.memory_space<vmem>> -> memref<50xi32, #tpu.memory_space<vmem>>
      %dma_wait3A_463 = arith.constant 0 : i32
      %dma_wait3A_464 = arith.constant 0 : i32
      %dma_wait3A_465 = tpu.memref_slice %arg3[%dma_wait3A_463, %dma_wait3A_464] : memref<1000000x64xf32, #tpu.memory_space<hbm>> -> memref<1000000x64xf32, #tpu.memory_space<hbm>>
      tpu.wait_indirect_dma semaphore(%arg7 : memref<!tpu.dma_semaphore, #tpu.memory_space<semaphore_mem>>) src(%dma_wait3A_465 : memref<1000000x64xf32, #tpu.memory_space<hbm>>) dst(%dma_wait3A_459 : memref<50x64xf32, #tpu.memory_space<vmem>>)
      %dma_wait3A_466 = arith.constant 6 : i32
      %dma_wait3A_467 = arith.constant 6 : i32
      %dma_wait3A_468 = arith.constant 0 : i32
      %dma_wait3A_469 = arith.constant 0 : i32
      %dma_wait3A_470 = tpu.memref_slice %arg6[%dma_wait3A_467, %dma_wait3A_468, %dma_wait3A_469] : memref<32x50x64xf32, #tpu.memory_space<vmem>> -> memref<1x50x64xf32, #tpu.memory_space<vmem>>
      %dma_wait3A_471 = tpu.memref_squeeze %dma_wait3A_470 : memref<1x50x64xf32, #tpu.memory_space<vmem>> -> memref<50x64xf32, #tpu.memory_space<vmem>>
      %dma_wait3A_472 = arith.constant 0 : i32
      %dma_wait3A_473 = tpu.memref_slice %arg5[%dma_wait3A_466, %dma_wait3A_472] : memref<32x50xi32, #tpu.memory_space<vmem>> -> memref<1x50xi32, #tpu.memory_space<vmem>>
      %dma_wait3A_474 = tpu.memref_squeeze %dma_wait3A_473 : memref<1x50xi32, #tpu.memory_space<vmem>> -> memref<50xi32, #tpu.memory_space<vmem>>
      %dma_wait3A_475 = arith.constant 0 : i32
      %dma_wait3A_476 = arith.constant 0 : i32
      %dma_wait3A_477 = tpu.memref_slice %arg3[%dma_wait3A_475, %dma_wait3A_476] : memref<1000000x64xf32, #tpu.memory_space<hbm>> -> memref<1000000x64xf32, #tpu.memory_space<hbm>>
      tpu.wait_indirect_dma semaphore(%arg7 : memref<!tpu.dma_semaphore, #tpu.memory_space<semaphore_mem>>) src(%dma_wait3A_477 : memref<1000000x64xf32, #tpu.memory_space<hbm>>) dst(%dma_wait3A_471 : memref<50x64xf32, #tpu.memory_space<vmem>>)
      %dma_wait3A_478 = arith.constant 7 : i32
      %dma_wait3A_479 = arith.constant 7 : i32
      %dma_wait3A_480 = arith.constant 0 : i32
      %dma_wait3A_481 = arith.constant 0 : i32
      %dma_wait3A_482 = tpu.memref_slice %arg6[%dma_wait3A_479, %dma_wait3A_480, %dma_wait3A_481] : memref<32x50x64xf32, #tpu.memory_space<vmem>> -> memref<1x50x64xf32, #tpu.memory_space<vmem>>
      %dma_wait3A_483 = tpu.memref_squeeze %dma_wait3A_482 : memref<1x50x64xf32, #tpu.memory_space<vmem>> -> memref<50x64xf32, #tpu.memory_space<vmem>>
      %dma_wait3A_484 = arith.constant 0 : i32
      %dma_wait3A_485 = tpu.memref_slice %arg5[%dma_wait3A_478, %dma_wait3A_484] : memref<32x50xi32, #tpu.memory_space<vmem>> -> memref<1x50xi32, #tpu.memory_space<vmem>>
      %dma_wait3A_486 = tpu.memref_squeeze %dma_wait3A_485 : memref<1x50xi32, #tpu.memory_space<vmem>> -> memref<50xi32, #tpu.memory_space<vmem>>
      %dma_wait3A_487 = arith.constant 0 : i32
      %dma_wait3A_488 = arith.constant 0 : i32
      %dma_wait3A_489 = tpu.memref_slice %arg3[%dma_wait3A_487, %dma_wait3A_488] : memref<1000000x64xf32, #tpu.memory_space<hbm>> -> memref<1000000x64xf32, #tpu.memory_space<hbm>>
      tpu.wait_indirect_dma semaphore(%arg7 : memref<!tpu.dma_semaphore, #tpu.memory_space<semaphore_mem>>) src(%dma_wait3A_489 : memref<1000000x64xf32, #tpu.memory_space<hbm>>) dst(%dma_wait3A_483 : memref<50x64xf32, #tpu.memory_space<vmem>>)
      %dma_wait3A_490 = arith.constant 8 : i32
      %dma_wait3A_491 = arith.constant 8 : i32
      %dma_wait3A_492 = arith.constant 0 : i32
      %dma_wait3A_493 = arith.constant 0 : i32
      %dma_wait3A_494 = tpu.memref_slice %arg6[%dma_wait3A_491, %dma_wait3A_492, %dma_wait3A_493] : memref<32x50x64xf32, #tpu.memory_space<vmem>> -> memref<1x50x64xf32, #tpu.memory_space<vmem>>
      %dma_wait3A_495 = tpu.memref_squeeze %dma_wait3A_494 : memref<1x50x64xf32, #tpu.memory_space<vmem>> -> memref<50x64xf32, #tpu.memory_space<vmem>>
      %dma_wait3A_496 = arith.constant 0 : i32
      %dma_wait3A_497 = tpu.memref_slice %arg5[%dma_wait3A_490, %dma_wait3A_496] : memref<32x50xi32, #tpu.memory_space<vmem>> -> memref<1x50xi32, #tpu.memory_space<vmem>>
      %dma_wait3A_498 = tpu.memref_squeeze %dma_wait3A_497 : memref<1x50xi32, #tpu.memory_space<vmem>> -> memref<50xi32, #tpu.memory_space<vmem>>
      %dma_wait3A_499 = arith.constant 0 : i32
      %dma_wait3A_500 = arith.constant 0 : i32
      %dma_wait3A_501 = tpu.memref_slice %arg3[%dma_wait3A_499, %dma_wait3A_500] : memref<1000000x64xf32, #tpu.memory_space<hbm>> -> memref<1000000x64xf32, #tpu.memory_space<hbm>>
      tpu.wait_indirect_dma semaphore(%arg7 : memref<!tpu.dma_semaphore, #tpu.memory_space<semaphore_mem>>) src(%dma_wait3A_501 : memref<1000000x64xf32, #tpu.memory_space<hbm>>) dst(%dma_wait3A_495 : memref<50x64xf32, #tpu.memory_space<vmem>>)
      %dma_wait3A_502 = arith.constant 9 : i32
      %dma_wait3A_503 = arith.constant 9 : i32
      %dma_wait3A_504 = arith.constant 0 : i32
      %dma_wait3A_505 = arith.constant 0 : i32
      %dma_wait3A_506 = tpu.memref_slice %arg6[%dma_wait3A_503, %dma_wait3A_504, %dma_wait3A_505] : memref<32x50x64xf32, #tpu.memory_space<vmem>> -> memref<1x50x64xf32, #tpu.memory_space<vmem>>
      %dma_wait3A_507 = tpu.memref_squeeze %dma_wait3A_506 : memref<1x50x64xf32, #tpu.memory_space<vmem>> -> memref<50x64xf32, #tpu.memory_space<vmem>>
      %dma_wait3A_508 = arith.constant 0 : i32
      %dma_wait3A_509 = tpu.memref_slice %arg5[%dma_wait3A_502, %dma_wait3A_508] : memref<32x50xi32, #tpu.memory_space<vmem>> -> memref<1x50xi32, #tpu.memory_space<vmem>>
      %dma_wait3A_510 = tpu.memref_squeeze %dma_wait3A_509 : memref<1x50xi32, #tpu.memory_space<vmem>> -> memref<50xi32, #tpu.memory_space<vmem>>
      %dma_wait3A_511 = arith.constant 0 : i32
      %dma_wait3A_512 = arith.constant 0 : i32
      %dma_wait3A_513 = tpu.memref_slice %arg3[%dma_wait3A_511, %dma_wait3A_512] : memref<1000000x64xf32, #tpu.memory_space<hbm>> -> memref<1000000x64xf32, #tpu.memory_space<hbm>>
      tpu.wait_indirect_dma semaphore(%arg7 : memref<!tpu.dma_semaphore, #tpu.memory_space<semaphore_mem>>) src(%dma_wait3A_513 : memref<1000000x64xf32, #tpu.memory_space<hbm>>) dst(%dma_wait3A_507 : memref<50x64xf32, #tpu.memory_space<vmem>>)
      %dma_wait3A_514 = arith.constant 10 : i32
      %dma_wait3A_515 = arith.constant 10 : i32
      %dma_wait3A_516 = arith.constant 0 : i32
      %dma_wait3A_517 = arith.constant 0 : i32
      %dma_wait3A_518 = tpu.memref_slice %arg6[%dma_wait3A_515, %dma_wait3A_516, %dma_wait3A_517] : memref<32x50x64xf32, #tpu.memory_space<vmem>> -> memref<1x50x64xf32, #tpu.memory_space<vmem>>
      %dma_wait3A_519 = tpu.memref_squeeze %dma_wait3A_518 : memref<1x50x64xf32, #tpu.memory_space<vmem>> -> memref<50x64xf32, #tpu.memory_space<vmem>>
      %dma_wait3A_520 = arith.constant 0 : i32
      %dma_wait3A_521 = tpu.memref_slice %arg5[%dma_wait3A_514, %dma_wait3A_520] : memref<32x50xi32, #tpu.memory_space<vmem>> -> memref<1x50xi32, #tpu.memory_space<vmem>>
      %dma_wait3A_522 = tpu.memref_squeeze %dma_wait3A_521 : memref<1x50xi32, #tpu.memory_space<vmem>> -> memref<50xi32, #tpu.memory_space<vmem>>
      %dma_wait3A_523 = arith.constant 0 : i32
      %dma_wait3A_524 = arith.constant 0 : i32
      %dma_wait3A_525 = tpu.memref_slice %arg3[%dma_wait3A_523, %dma_wait3A_524] : memref<1000000x64xf32, #tpu.memory_space<hbm>> -> memref<1000000x64xf32, #tpu.memory_space<hbm>>
      tpu.wait_indirect_dma semaphore(%arg7 : memref<!tpu.dma_semaphore, #tpu.memory_space<semaphore_mem>>) src(%dma_wait3A_525 : memref<1000000x64xf32, #tpu.memory_space<hbm>>) dst(%dma_wait3A_519 : memref<50x64xf32, #tpu.memory_space<vmem>>)
      %dma_wait3A_526 = arith.constant 11 : i32
      %dma_wait3A_527 = arith.constant 11 : i32
      %dma_wait3A_528 = arith.constant 0 : i32
      %dma_wait3A_529 = arith.constant 0 : i32
      %dma_wait3A_530 = tpu.memref_slice %arg6[%dma_wait3A_527, %dma_wait3A_528, %dma_wait3A_529] : memref<32x50x64xf32, #tpu.memory_space<vmem>> -> memref<1x50x64xf32, #tpu.memory_space<vmem>>
      %dma_wait3A_531 = tpu.memref_squeeze %dma_wait3A_530 : memref<1x50x64xf32, #tpu.memory_space<vmem>> -> memref<50x64xf32, #tpu.memory_space<vmem>>
      %dma_wait3A_532 = arith.constant 0 : i32
      %dma_wait3A_533 = tpu.memref_slice %arg5[%dma_wait3A_526, %dma_wait3A_532] : memref<32x50xi32, #tpu.memory_space<vmem>> -> memref<1x50xi32, #tpu.memory_space<vmem>>
      %dma_wait3A_534 = tpu.memref_squeeze %dma_wait3A_533 : memref<1x50xi32, #tpu.memory_space<vmem>> -> memref<50xi32, #tpu.memory_space<vmem>>
      %dma_wait3A_535 = arith.constant 0 : i32
      %dma_wait3A_536 = arith.constant 0 : i32
      %dma_wait3A_537 = tpu.memref_slice %arg3[%dma_wait3A_535, %dma_wait3A_536] : memref<1000000x64xf32, #tpu.memory_space<hbm>> -> memref<1000000x64xf32, #tpu.memory_space<hbm>>
      tpu.wait_indirect_dma semaphore(%arg7 : memref<!tpu.dma_semaphore, #tpu.memory_space<semaphore_mem>>) src(%dma_wait3A_537 : memref<1000000x64xf32, #tpu.memory_space<hbm>>) dst(%dma_wait3A_531 : memref<50x64xf32, #tpu.memory_space<vmem>>)
      %dma_wait3A_538 = arith.constant 12 : i32
      %dma_wait3A_539 = arith.constant 12 : i32
      %dma_wait3A_540 = arith.constant 0 : i32
      %dma_wait3A_541 = arith.constant 0 : i32
      %dma_wait3A_542 = tpu.memref_slice %arg6[%dma_wait3A_539, %dma_wait3A_540, %dma_wait3A_541] : memref<32x50x64xf32, #tpu.memory_space<vmem>> -> memref<1x50x64xf32, #tpu.memory_space<vmem>>
      %dma_wait3A_543 = tpu.memref_squeeze %dma_wait3A_542 : memref<1x50x64xf32, #tpu.memory_space<vmem>> -> memref<50x64xf32, #tpu.memory_space<vmem>>
      %dma_wait3A_544 = arith.constant 0 : i32
      %dma_wait3A_545 = tpu.memref_slice %arg5[%dma_wait3A_538, %dma_wait3A_544] : memref<32x50xi32, #tpu.memory_space<vmem>> -> memref<1x50xi32, #tpu.memory_space<vmem>>
      %dma_wait3A_546 = tpu.memref_squeeze %dma_wait3A_545 : memref<1x50xi32, #tpu.memory_space<vmem>> -> memref<50xi32, #tpu.memory_space<vmem>>
      %dma_wait3A_547 = arith.constant 0 : i32
      %dma_wait3A_548 = arith.constant 0 : i32
      %dma_wait3A_549 = tpu.memref_slice %arg3[%dma_wait3A_547, %dma_wait3A_548] : memref<1000000x64xf32, #tpu.memory_space<hbm>> -> memref<1000000x64xf32, #tpu.memory_space<hbm>>
      tpu.wait_indirect_dma semaphore(%arg7 : memref<!tpu.dma_semaphore, #tpu.memory_space<semaphore_mem>>) src(%dma_wait3A_549 : memref<1000000x64xf32, #tpu.memory_space<hbm>>) dst(%dma_wait3A_543 : memref<50x64xf32, #tpu.memory_space<vmem>>)
      %dma_wait3A_550 = arith.constant 13 : i32
      %dma_wait3A_551 = arith.constant 13 : i32
      %dma_wait3A_552 = arith.constant 0 : i32
      %dma_wait3A_553 = arith.constant 0 : i32
      %dma_wait3A_554 = tpu.memref_slice %arg6[%dma_wait3A_551, %dma_wait3A_552, %dma_wait3A_553] : memref<32x50x64xf32, #tpu.memory_space<vmem>> -> memref<1x50x64xf32, #tpu.memory_space<vmem>>
      %dma_wait3A_555 = tpu.memref_squeeze %dma_wait3A_554 : memref<1x50x64xf32, #tpu.memory_space<vmem>> -> memref<50x64xf32, #tpu.memory_space<vmem>>
      %dma_wait3A_556 = arith.constant 0 : i32
      %dma_wait3A_557 = tpu.memref_slice %arg5[%dma_wait3A_550, %dma_wait3A_556] : memref<32x50xi32, #tpu.memory_space<vmem>> -> memref<1x50xi32, #tpu.memory_space<vmem>>
      %dma_wait3A_558 = tpu.memref_squeeze %dma_wait3A_557 : memref<1x50xi32, #tpu.memory_space<vmem>> -> memref<50xi32, #tpu.memory_space<vmem>>
      %dma_wait3A_559 = arith.constant 0 : i32
      %dma_wait3A_560 = arith.constant 0 : i32
      %dma_wait3A_561 = tpu.memref_slice %arg3[%dma_wait3A_559, %dma_wait3A_560] : memref<1000000x64xf32, #tpu.memory_space<hbm>> -> memref<1000000x64xf32, #tpu.memory_space<hbm>>
      tpu.wait_indirect_dma semaphore(%arg7 : memref<!tpu.dma_semaphore, #tpu.memory_space<semaphore_mem>>) src(%dma_wait3A_561 : memref<1000000x64xf32, #tpu.memory_space<hbm>>) dst(%dma_wait3A_555 : memref<50x64xf32, #tpu.memory_space<vmem>>)
      %dma_wait3A_562 = arith.constant 14 : i32
      %dma_wait3A_563 = arith.constant 14 : i32
      %dma_wait3A_564 = arith.constant 0 : i32
      %dma_wait3A_565 = arith.constant 0 : i32
      %dma_wait3A_566 = tpu.memref_slice %arg6[%dma_wait3A_563, %dma_wait3A_564, %dma_wait3A_565] : memref<32x50x64xf32, #tpu.memory_space<vmem>> -> memref<1x50x64xf32, #tpu.memory_space<vmem>>
      %dma_wait3A_567 = tpu.memref_squeeze %dma_wait3A_566 : memref<1x50x64xf32, #tpu.memory_space<vmem>> -> memref<50x64xf32, #tpu.memory_space<vmem>>
      %dma_wait3A_568 = arith.constant 0 : i32
      %dma_wait3A_569 = tpu.memref_slice %arg5[%dma_wait3A_562, %dma_wait3A_568] : memref<32x50xi32, #tpu.memory_space<vmem>> -> memref<1x50xi32, #tpu.memory_space<vmem>>
      %dma_wait3A_570 = tpu.memref_squeeze %dma_wait3A_569 : memref<1x50xi32, #tpu.memory_space<vmem>> -> memref<50xi32, #tpu.memory_space<vmem>>
      %dma_wait3A_571 = arith.constant 0 : i32
      %dma_wait3A_572 = arith.constant 0 : i32
      %dma_wait3A_573 = tpu.memref_slice %arg3[%dma_wait3A_571, %dma_wait3A_572] : memref<1000000x64xf32, #tpu.memory_space<hbm>> -> memref<1000000x64xf32, #tpu.memory_space<hbm>>
      tpu.wait_indirect_dma semaphore(%arg7 : memref<!tpu.dma_semaphore, #tpu.memory_space<semaphore_mem>>) src(%dma_wait3A_573 : memref<1000000x64xf32, #tpu.memory_space<hbm>>) dst(%dma_wait3A_567 : memref<50x64xf32, #tpu.memory_space<vmem>>)
      %dma_wait3A_574 = arith.constant 15 : i32
      %dma_wait3A_575 = arith.constant 15 : i32
      %dma_wait3A_576 = arith.constant 0 : i32
      %dma_wait3A_577 = arith.constant 0 : i32
      %dma_wait3A_578 = tpu.memref_slice %arg6[%dma_wait3A_575, %dma_wait3A_576, %dma_wait3A_577] : memref<32x50x64xf32, #tpu.memory_space<vmem>> -> memref<1x50x64xf32, #tpu.memory_space<vmem>>
      %dma_wait3A_579 = tpu.memref_squeeze %dma_wait3A_578 : memref<1x50x64xf32, #tpu.memory_space<vmem>> -> memref<50x64xf32, #tpu.memory_space<vmem>>
      %dma_wait3A_580 = arith.constant 0 : i32
      %dma_wait3A_581 = tpu.memref_slice %arg5[%dma_wait3A_574, %dma_wait3A_580] : memref<32x50xi32, #tpu.memory_space<vmem>> -> memref<1x50xi32, #tpu.memory_space<vmem>>
      %dma_wait3A_582 = tpu.memref_squeeze %dma_wait3A_581 : memref<1x50xi32, #tpu.memory_space<vmem>> -> memref<50xi32, #tpu.memory_space<vmem>>
      %dma_wait3A_583 = arith.constant 0 : i32
      %dma_wait3A_584 = arith.constant 0 : i32
      %dma_wait3A_585 = tpu.memref_slice %arg3[%dma_wait3A_583, %dma_wait3A_584] : memref<1000000x64xf32, #tpu.memory_space<hbm>> -> memref<1000000x64xf32, #tpu.memory_space<hbm>>
      tpu.wait_indirect_dma semaphore(%arg7 : memref<!tpu.dma_semaphore, #tpu.memory_space<semaphore_mem>>) src(%dma_wait3A_585 : memref<1000000x64xf32, #tpu.memory_space<hbm>>) dst(%dma_wait3A_579 : memref<50x64xf32, #tpu.memory_space<vmem>>)
      %dma_wait3A_586 = arith.constant 16 : i32
      %dma_wait3A_587 = arith.constant 16 : i32
      %dma_wait3A_588 = arith.constant 0 : i32
      %dma_wait3A_589 = arith.constant 0 : i32
      %dma_wait3A_590 = tpu.memref_slice %arg6[%dma_wait3A_587, %dma_wait3A_588, %dma_wait3A_589] : memref<32x50x64xf32, #tpu.memory_space<vmem>> -> memref<1x50x64xf32, #tpu.memory_space<vmem>>
      %dma_wait3A_591 = tpu.memref_squeeze %dma_wait3A_590 : memref<1x50x64xf32, #tpu.memory_space<vmem>> -> memref<50x64xf32, #tpu.memory_space<vmem>>
      %dma_wait3A_592 = arith.constant 0 : i32
      %dma_wait3A_593 = tpu.memref_slice %arg5[%dma_wait3A_586, %dma_wait3A_592] : memref<32x50xi32, #tpu.memory_space<vmem>> -> memref<1x50xi32, #tpu.memory_space<vmem>>
      %dma_wait3A_594 = tpu.memref_squeeze %dma_wait3A_593 : memref<1x50xi32, #tpu.memory_space<vmem>> -> memref<50xi32, #tpu.memory_space<vmem>>
      %dma_wait3A_595 = arith.constant 0 : i32
      %dma_wait3A_596 = arith.constant 0 : i32
      %dma_wait3A_597 = tpu.memref_slice %arg3[%dma_wait3A_595, %dma_wait3A_596] : memref<1000000x64xf32, #tpu.memory_space<hbm>> -> memref<1000000x64xf32, #tpu.memory_space<hbm>>
      tpu.wait_indirect_dma semaphore(%arg7 : memref<!tpu.dma_semaphore, #tpu.memory_space<semaphore_mem>>) src(%dma_wait3A_597 : memref<1000000x64xf32, #tpu.memory_space<hbm>>) dst(%dma_wait3A_591 : memref<50x64xf32, #tpu.memory_space<vmem>>)
      %dma_wait3A_598 = arith.constant 17 : i32
      %dma_wait3A_599 = arith.constant 17 : i32
      %dma_wait3A_600 = arith.constant 0 : i32
      %dma_wait3A_601 = arith.constant 0 : i32
      %dma_wait3A_602 = tpu.memref_slice %arg6[%dma_wait3A_599, %dma_wait3A_600, %dma_wait3A_601] : memref<32x50x64xf32, #tpu.memory_space<vmem>> -> memref<1x50x64xf32, #tpu.memory_space<vmem>>
      %dma_wait3A_603 = tpu.memref_squeeze %dma_wait3A_602 : memref<1x50x64xf32, #tpu.memory_space<vmem>> -> memref<50x64xf32, #tpu.memory_space<vmem>>
      %dma_wait3A_604 = arith.constant 0 : i32
      %dma_wait3A_605 = tpu.memref_slice %arg5[%dma_wait3A_598, %dma_wait3A_604] : memref<32x50xi32, #tpu.memory_space<vmem>> -> memref<1x50xi32, #tpu.memory_space<vmem>>
      %dma_wait3A_606 = tpu.memref_squeeze %dma_wait3A_605 : memref<1x50xi32, #tpu.memory_space<vmem>> -> memref<50xi32, #tpu.memory_space<vmem>>
      %dma_wait3A_607 = arith.constant 0 : i32
      %dma_wait3A_608 = arith.constant 0 : i32
      %dma_wait3A_609 = tpu.memref_slice %arg3[%dma_wait3A_607, %dma_wait3A_608] : memref<1000000x64xf32, #tpu.memory_space<hbm>> -> memref<1000000x64xf32, #tpu.memory_space<hbm>>
      tpu.wait_indirect_dma semaphore(%arg7 : memref<!tpu.dma_semaphore, #tpu.memory_space<semaphore_mem>>) src(%dma_wait3A_609 : memref<1000000x64xf32, #tpu.memory_space<hbm>>) dst(%dma_wait3A_603 : memref<50x64xf32, #tpu.memory_space<vmem>>)
      %dma_wait3A_610 = arith.constant 18 : i32
      %dma_wait3A_611 = arith.constant 18 : i32
      %dma_wait3A_612 = arith.constant 0 : i32
      %dma_wait3A_613 = arith.constant 0 : i32
      %dma_wait3A_614 = tpu.memref_slice %arg6[%dma_wait3A_611, %dma_wait3A_612, %dma_wait3A_613] : memref<32x50x64xf32, #tpu.memory_space<vmem>> -> memref<1x50x64xf32, #tpu.memory_space<vmem>>
      %dma_wait3A_615 = tpu.memref_squeeze %dma_wait3A_614 : memref<1x50x64xf32, #tpu.memory_space<vmem>> -> memref<50x64xf32, #tpu.memory_space<vmem>>
      %dma_wait3A_616 = arith.constant 0 : i32
      %dma_wait3A_617 = tpu.memref_slice %arg5[%dma_wait3A_610, %dma_wait3A_616] : memref<32x50xi32, #tpu.memory_space<vmem>> -> memref<1x50xi32, #tpu.memory_space<vmem>>
      %dma_wait3A_618 = tpu.memref_squeeze %dma_wait3A_617 : memref<1x50xi32, #tpu.memory_space<vmem>> -> memref<50xi32, #tpu.memory_space<vmem>>
      %dma_wait3A_619 = arith.constant 0 : i32
      %dma_wait3A_620 = arith.constant 0 : i32
      %dma_wait3A_621 = tpu.memref_slice %arg3[%dma_wait3A_619, %dma_wait3A_620] : memref<1000000x64xf32, #tpu.memory_space<hbm>> -> memref<1000000x64xf32, #tpu.memory_space<hbm>>
      tpu.wait_indirect_dma semaphore(%arg7 : memref<!tpu.dma_semaphore, #tpu.memory_space<semaphore_mem>>) src(%dma_wait3A_621 : memref<1000000x64xf32, #tpu.memory_space<hbm>>) dst(%dma_wait3A_615 : memref<50x64xf32, #tpu.memory_space<vmem>>)
      %dma_wait3A_622 = arith.constant 19 : i32
      %dma_wait3A_623 = arith.constant 19 : i32
      %dma_wait3A_624 = arith.constant 0 : i32
      %dma_wait3A_625 = arith.constant 0 : i32
      %dma_wait3A_626 = tpu.memref_slice %arg6[%dma_wait3A_623, %dma_wait3A_624, %dma_wait3A_625] : memref<32x50x64xf32, #tpu.memory_space<vmem>> -> memref<1x50x64xf32, #tpu.memory_space<vmem>>
      %dma_wait3A_627 = tpu.memref_squeeze %dma_wait3A_626 : memref<1x50x64xf32, #tpu.memory_space<vmem>> -> memref<50x64xf32, #tpu.memory_space<vmem>>
      %dma_wait3A_628 = arith.constant 0 : i32
      %dma_wait3A_629 = tpu.memref_slice %arg5[%dma_wait3A_622, %dma_wait3A_628] : memref<32x50xi32, #tpu.memory_space<vmem>> -> memref<1x50xi32, #tpu.memory_space<vmem>>
      %dma_wait3A_630 = tpu.memref_squeeze %dma_wait3A_629 : memref<1x50xi32, #tpu.memory_space<vmem>> -> memref<50xi32, #tpu.memory_space<vmem>>
      %dma_wait3A_631 = arith.constant 0 : i32
      %dma_wait3A_632 = arith.constant 0 : i32
      %dma_wait3A_633 = tpu.memref_slice %arg3[%dma_wait3A_631, %dma_wait3A_632] : memref<1000000x64xf32, #tpu.memory_space<hbm>> -> memref<1000000x64xf32, #tpu.memory_space<hbm>>
      tpu.wait_indirect_dma semaphore(%arg7 : memref<!tpu.dma_semaphore, #tpu.memory_space<semaphore_mem>>) src(%dma_wait3A_633 : memref<1000000x64xf32, #tpu.memory_space<hbm>>) dst(%dma_wait3A_627 : memref<50x64xf32, #tpu.memory_space<vmem>>)
      %dma_wait3A_634 = arith.constant 20 : i32
      %dma_wait3A_635 = arith.constant 20 : i32
      %dma_wait3A_636 = arith.constant 0 : i32
      %dma_wait3A_637 = arith.constant 0 : i32
      %dma_wait3A_638 = tpu.memref_slice %arg6[%dma_wait3A_635, %dma_wait3A_636, %dma_wait3A_637] : memref<32x50x64xf32, #tpu.memory_space<vmem>> -> memref<1x50x64xf32, #tpu.memory_space<vmem>>
      %dma_wait3A_639 = tpu.memref_squeeze %dma_wait3A_638 : memref<1x50x64xf32, #tpu.memory_space<vmem>> -> memref<50x64xf32, #tpu.memory_space<vmem>>
      %dma_wait3A_640 = arith.constant 0 : i32
      %dma_wait3A_641 = tpu.memref_slice %arg5[%dma_wait3A_634, %dma_wait3A_640] : memref<32x50xi32, #tpu.memory_space<vmem>> -> memref<1x50xi32, #tpu.memory_space<vmem>>
      %dma_wait3A_642 = tpu.memref_squeeze %dma_wait3A_641 : memref<1x50xi32, #tpu.memory_space<vmem>> -> memref<50xi32, #tpu.memory_space<vmem>>
      %dma_wait3A_643 = arith.constant 0 : i32
      %dma_wait3A_644 = arith.constant 0 : i32
      %dma_wait3A_645 = tpu.memref_slice %arg3[%dma_wait3A_643, %dma_wait3A_644] : memref<1000000x64xf32, #tpu.memory_space<hbm>> -> memref<1000000x64xf32, #tpu.memory_space<hbm>>
      tpu.wait_indirect_dma semaphore(%arg7 : memref<!tpu.dma_semaphore, #tpu.memory_space<semaphore_mem>>) src(%dma_wait3A_645 : memref<1000000x64xf32, #tpu.memory_space<hbm>>) dst(%dma_wait3A_639 : memref<50x64xf32, #tpu.memory_space<vmem>>)
      %dma_wait3A_646 = arith.constant 21 : i32
      %dma_wait3A_647 = arith.constant 21 : i32
      %dma_wait3A_648 = arith.constant 0 : i32
      %dma_wait3A_649 = arith.constant 0 : i32
      %dma_wait3A_650 = tpu.memref_slice %arg6[%dma_wait3A_647, %dma_wait3A_648, %dma_wait3A_649] : memref<32x50x64xf32, #tpu.memory_space<vmem>> -> memref<1x50x64xf32, #tpu.memory_space<vmem>>
      %dma_wait3A_651 = tpu.memref_squeeze %dma_wait3A_650 : memref<1x50x64xf32, #tpu.memory_space<vmem>> -> memref<50x64xf32, #tpu.memory_space<vmem>>
      %dma_wait3A_652 = arith.constant 0 : i32
      %dma_wait3A_653 = tpu.memref_slice %arg5[%dma_wait3A_646, %dma_wait3A_652] : memref<32x50xi32, #tpu.memory_space<vmem>> -> memref<1x50xi32, #tpu.memory_space<vmem>>
      %dma_wait3A_654 = tpu.memref_squeeze %dma_wait3A_653 : memref<1x50xi32, #tpu.memory_space<vmem>> -> memref<50xi32, #tpu.memory_space<vmem>>
      %dma_wait3A_655 = arith.constant 0 : i32
      %dma_wait3A_656 = arith.constant 0 : i32
      %dma_wait3A_657 = tpu.memref_slice %arg3[%dma_wait3A_655, %dma_wait3A_656] : memref<1000000x64xf32, #tpu.memory_space<hbm>> -> memref<1000000x64xf32, #tpu.memory_space<hbm>>
      tpu.wait_indirect_dma semaphore(%arg7 : memref<!tpu.dma_semaphore, #tpu.memory_space<semaphore_mem>>) src(%dma_wait3A_657 : memref<1000000x64xf32, #tpu.memory_space<hbm>>) dst(%dma_wait3A_651 : memref<50x64xf32, #tpu.memory_space<vmem>>)
      %dma_wait3A_658 = arith.constant 22 : i32
      %dma_wait3A_659 = arith.constant 22 : i32
      %dma_wait3A_660 = arith.constant 0 : i32
      %dma_wait3A_661 = arith.constant 0 : i32
      %dma_wait3A_662 = tpu.memref_slice %arg6[%dma_wait3A_659, %dma_wait3A_660, %dma_wait3A_661] : memref<32x50x64xf32, #tpu.memory_space<vmem>> -> memref<1x50x64xf32, #tpu.memory_space<vmem>>
      %dma_wait3A_663 = tpu.memref_squeeze %dma_wait3A_662 : memref<1x50x64xf32, #tpu.memory_space<vmem>> -> memref<50x64xf32, #tpu.memory_space<vmem>>
      %dma_wait3A_664 = arith.constant 0 : i32
      %dma_wait3A_665 = tpu.memref_slice %arg5[%dma_wait3A_658, %dma_wait3A_664] : memref<32x50xi32, #tpu.memory_space<vmem>> -> memref<1x50xi32, #tpu.memory_space<vmem>>
      %dma_wait3A_666 = tpu.memref_squeeze %dma_wait3A_665 : memref<1x50xi32, #tpu.memory_space<vmem>> -> memref<50xi32, #tpu.memory_space<vmem>>
      %dma_wait3A_667 = arith.constant 0 : i32
      %dma_wait3A_668 = arith.constant 0 : i32
      %dma_wait3A_669 = tpu.memref_slice %arg3[%dma_wait3A_667, %dma_wait3A_668] : memref<1000000x64xf32, #tpu.memory_space<hbm>> -> memref<1000000x64xf32, #tpu.memory_space<hbm>>
      tpu.wait_indirect_dma semaphore(%arg7 : memref<!tpu.dma_semaphore, #tpu.memory_space<semaphore_mem>>) src(%dma_wait3A_669 : memref<1000000x64xf32, #tpu.memory_space<hbm>>) dst(%dma_wait3A_663 : memref<50x64xf32, #tpu.memory_space<vmem>>)
      %dma_wait3A_670 = arith.constant 23 : i32
      %dma_wait3A_671 = arith.constant 23 : i32
      %dma_wait3A_672 = arith.constant 0 : i32
      %dma_wait3A_673 = arith.constant 0 : i32
      %dma_wait3A_674 = tpu.memref_slice %arg6[%dma_wait3A_671, %dma_wait3A_672, %dma_wait3A_673] : memref<32x50x64xf32, #tpu.memory_space<vmem>> -> memref<1x50x64xf32, #tpu.memory_space<vmem>>
      %dma_wait3A_675 = tpu.memref_squeeze %dma_wait3A_674 : memref<1x50x64xf32, #tpu.memory_space<vmem>> -> memref<50x64xf32, #tpu.memory_space<vmem>>
      %dma_wait3A_676 = arith.constant 0 : i32
      %dma_wait3A_677 = tpu.memref_slice %arg5[%dma_wait3A_670, %dma_wait3A_676] : memref<32x50xi32, #tpu.memory_space<vmem>> -> memref<1x50xi32, #tpu.memory_space<vmem>>
      %dma_wait3A_678 = tpu.memref_squeeze %dma_wait3A_677 : memref<1x50xi32, #tpu.memory_space<vmem>> -> memref<50xi32, #tpu.memory_space<vmem>>
      %dma_wait3A_679 = arith.constant 0 : i32
      %dma_wait3A_680 = arith.constant 0 : i32
      %dma_wait3A_681 = tpu.memref_slice %arg3[%dma_wait3A_679, %dma_wait3A_680] : memref<1000000x64xf32, #tpu.memory_space<hbm>> -> memref<1000000x64xf32, #tpu.memory_space<hbm>>
      tpu.wait_indirect_dma semaphore(%arg7 : memref<!tpu.dma_semaphore, #tpu.memory_space<semaphore_mem>>) src(%dma_wait3A_681 : memref<1000000x64xf32, #tpu.memory_space<hbm>>) dst(%dma_wait3A_675 : memref<50x64xf32, #tpu.memory_space<vmem>>)
      %dma_wait3A_682 = arith.constant 24 : i32
      %dma_wait3A_683 = arith.constant 24 : i32
      %dma_wait3A_684 = arith.constant 0 : i32
      %dma_wait3A_685 = arith.constant 0 : i32
      %dma_wait3A_686 = tpu.memref_slice %arg6[%dma_wait3A_683, %dma_wait3A_684, %dma_wait3A_685] : memref<32x50x64xf32, #tpu.memory_space<vmem>> -> memref<1x50x64xf32, #tpu.memory_space<vmem>>
      %dma_wait3A_687 = tpu.memref_squeeze %dma_wait3A_686 : memref<1x50x64xf32, #tpu.memory_space<vmem>> -> memref<50x64xf32, #tpu.memory_space<vmem>>
      %dma_wait3A_688 = arith.constant 0 : i32
      %dma_wait3A_689 = tpu.memref_slice %arg5[%dma_wait3A_682, %dma_wait3A_688] : memref<32x50xi32, #tpu.memory_space<vmem>> -> memref<1x50xi32, #tpu.memory_space<vmem>>
      %dma_wait3A_690 = tpu.memref_squeeze %dma_wait3A_689 : memref<1x50xi32, #tpu.memory_space<vmem>> -> memref<50xi32, #tpu.memory_space<vmem>>
      %dma_wait3A_691 = arith.constant 0 : i32
      %dma_wait3A_692 = arith.constant 0 : i32
      %dma_wait3A_693 = tpu.memref_slice %arg3[%dma_wait3A_691, %dma_wait3A_692] : memref<1000000x64xf32, #tpu.memory_space<hbm>> -> memref<1000000x64xf32, #tpu.memory_space<hbm>>
      tpu.wait_indirect_dma semaphore(%arg7 : memref<!tpu.dma_semaphore, #tpu.memory_space<semaphore_mem>>) src(%dma_wait3A_693 : memref<1000000x64xf32, #tpu.memory_space<hbm>>) dst(%dma_wait3A_687 : memref<50x64xf32, #tpu.memory_space<vmem>>)
      %dma_wait3A_694 = arith.constant 25 : i32
      %dma_wait3A_695 = arith.constant 25 : i32
      %dma_wait3A_696 = arith.constant 0 : i32
      %dma_wait3A_697 = arith.constant 0 : i32
      %dma_wait3A_698 = tpu.memref_slice %arg6[%dma_wait3A_695, %dma_wait3A_696, %dma_wait3A_697] : memref<32x50x64xf32, #tpu.memory_space<vmem>> -> memref<1x50x64xf32, #tpu.memory_space<vmem>>
      %dma_wait3A_699 = tpu.memref_squeeze %dma_wait3A_698 : memref<1x50x64xf32, #tpu.memory_space<vmem>> -> memref<50x64xf32, #tpu.memory_space<vmem>>
      %dma_wait3A_700 = arith.constant 0 : i32
      %dma_wait3A_701 = tpu.memref_slice %arg5[%dma_wait3A_694, %dma_wait3A_700] : memref<32x50xi32, #tpu.memory_space<vmem>> -> memref<1x50xi32, #tpu.memory_space<vmem>>
      %dma_wait3A_702 = tpu.memref_squeeze %dma_wait3A_701 : memref<1x50xi32, #tpu.memory_space<vmem>> -> memref<50xi32, #tpu.memory_space<vmem>>
      %dma_wait3A_703 = arith.constant 0 : i32
      %dma_wait3A_704 = arith.constant 0 : i32
      %dma_wait3A_705 = tpu.memref_slice %arg3[%dma_wait3A_703, %dma_wait3A_704] : memref<1000000x64xf32, #tpu.memory_space<hbm>> -> memref<1000000x64xf32, #tpu.memory_space<hbm>>
      tpu.wait_indirect_dma semaphore(%arg7 : memref<!tpu.dma_semaphore, #tpu.memory_space<semaphore_mem>>) src(%dma_wait3A_705 : memref<1000000x64xf32, #tpu.memory_space<hbm>>) dst(%dma_wait3A_699 : memref<50x64xf32, #tpu.memory_space<vmem>>)
      %dma_wait3A_706 = arith.constant 26 : i32
      %dma_wait3A_707 = arith.constant 26 : i32
      %dma_wait3A_708 = arith.constant 0 : i32
      %dma_wait3A_709 = arith.constant 0 : i32
      %dma_wait3A_710 = tpu.memref_slice %arg6[%dma_wait3A_707, %dma_wait3A_708, %dma_wait3A_709] : memref<32x50x64xf32, #tpu.memory_space<vmem>> -> memref<1x50x64xf32, #tpu.memory_space<vmem>>
      %dma_wait3A_711 = tpu.memref_squeeze %dma_wait3A_710 : memref<1x50x64xf32, #tpu.memory_space<vmem>> -> memref<50x64xf32, #tpu.memory_space<vmem>>
      %dma_wait3A_712 = arith.constant 0 : i32
      %dma_wait3A_713 = tpu.memref_slice %arg5[%dma_wait3A_706, %dma_wait3A_712] : memref<32x50xi32, #tpu.memory_space<vmem>> -> memref<1x50xi32, #tpu.memory_space<vmem>>
      %dma_wait3A_714 = tpu.memref_squeeze %dma_wait3A_713 : memref<1x50xi32, #tpu.memory_space<vmem>> -> memref<50xi32, #tpu.memory_space<vmem>>
      %dma_wait3A_715 = arith.constant 0 : i32
      %dma_wait3A_716 = arith.constant 0 : i32
      %dma_wait3A_717 = tpu.memref_slice %arg3[%dma_wait3A_715, %dma_wait3A_716] : memref<1000000x64xf32, #tpu.memory_space<hbm>> -> memref<1000000x64xf32, #tpu.memory_space<hbm>>
      tpu.wait_indirect_dma semaphore(%arg7 : memref<!tpu.dma_semaphore, #tpu.memory_space<semaphore_mem>>) src(%dma_wait3A_717 : memref<1000000x64xf32, #tpu.memory_space<hbm>>) dst(%dma_wait3A_711 : memref<50x64xf32, #tpu.memory_space<vmem>>)
      %dma_wait3A_718 = arith.constant 27 : i32
      %dma_wait3A_719 = arith.constant 27 : i32
      %dma_wait3A_720 = arith.constant 0 : i32
      %dma_wait3A_721 = arith.constant 0 : i32
      %dma_wait3A_722 = tpu.memref_slice %arg6[%dma_wait3A_719, %dma_wait3A_720, %dma_wait3A_721] : memref<32x50x64xf32, #tpu.memory_space<vmem>> -> memref<1x50x64xf32, #tpu.memory_space<vmem>>
      %dma_wait3A_723 = tpu.memref_squeeze %dma_wait3A_722 : memref<1x50x64xf32, #tpu.memory_space<vmem>> -> memref<50x64xf32, #tpu.memory_space<vmem>>
      %dma_wait3A_724 = arith.constant 0 : i32
      %dma_wait3A_725 = tpu.memref_slice %arg5[%dma_wait3A_718, %dma_wait3A_724] : memref<32x50xi32, #tpu.memory_space<vmem>> -> memref<1x50xi32, #tpu.memory_space<vmem>>
      %dma_wait3A_726 = tpu.memref_squeeze %dma_wait3A_725 : memref<1x50xi32, #tpu.memory_space<vmem>> -> memref<50xi32, #tpu.memory_space<vmem>>
      %dma_wait3A_727 = arith.constant 0 : i32
      %dma_wait3A_728 = arith.constant 0 : i32
      %dma_wait3A_729 = tpu.memref_slice %arg3[%dma_wait3A_727, %dma_wait3A_728] : memref<1000000x64xf32, #tpu.memory_space<hbm>> -> memref<1000000x64xf32, #tpu.memory_space<hbm>>
      tpu.wait_indirect_dma semaphore(%arg7 : memref<!tpu.dma_semaphore, #tpu.memory_space<semaphore_mem>>) src(%dma_wait3A_729 : memref<1000000x64xf32, #tpu.memory_space<hbm>>) dst(%dma_wait3A_723 : memref<50x64xf32, #tpu.memory_space<vmem>>)
      %dma_wait3A_730 = arith.constant 28 : i32
      %dma_wait3A_731 = arith.constant 28 : i32
      %dma_wait3A_732 = arith.constant 0 : i32
      %dma_wait3A_733 = arith.constant 0 : i32
      %dma_wait3A_734 = tpu.memref_slice %arg6[%dma_wait3A_731, %dma_wait3A_732, %dma_wait3A_733] : memref<32x50x64xf32, #tpu.memory_space<vmem>> -> memref<1x50x64xf32, #tpu.memory_space<vmem>>
      %dma_wait3A_735 = tpu.memref_squeeze %dma_wait3A_734 : memref<1x50x64xf32, #tpu.memory_space<vmem>> -> memref<50x64xf32, #tpu.memory_space<vmem>>
      %dma_wait3A_736 = arith.constant 0 : i32
      %dma_wait3A_737 = tpu.memref_slice %arg5[%dma_wait3A_730, %dma_wait3A_736] : memref<32x50xi32, #tpu.memory_space<vmem>> -> memref<1x50xi32, #tpu.memory_space<vmem>>
      %dma_wait3A_738 = tpu.memref_squeeze %dma_wait3A_737 : memref<1x50xi32, #tpu.memory_space<vmem>> -> memref<50xi32, #tpu.memory_space<vmem>>
      %dma_wait3A_739 = arith.constant 0 : i32
      %dma_wait3A_740 = arith.constant 0 : i32
      %dma_wait3A_741 = tpu.memref_slice %arg3[%dma_wait3A_739, %dma_wait3A_740] : memref<1000000x64xf32, #tpu.memory_space<hbm>> -> memref<1000000x64xf32, #tpu.memory_space<hbm>>
      tpu.wait_indirect_dma semaphore(%arg7 : memref<!tpu.dma_semaphore, #tpu.memory_space<semaphore_mem>>) src(%dma_wait3A_741 : memref<1000000x64xf32, #tpu.memory_space<hbm>>) dst(%dma_wait3A_735 : memref<50x64xf32, #tpu.memory_space<vmem>>)
      %dma_wait3A_742 = arith.constant 29 : i32
      %dma_wait3A_743 = arith.constant 29 : i32
      %dma_wait3A_744 = arith.constant 0 : i32
      %dma_wait3A_745 = arith.constant 0 : i32
      %dma_wait3A_746 = tpu.memref_slice %arg6[%dma_wait3A_743, %dma_wait3A_744, %dma_wait3A_745] : memref<32x50x64xf32, #tpu.memory_space<vmem>> -> memref<1x50x64xf32, #tpu.memory_space<vmem>>
      %dma_wait3A_747 = tpu.memref_squeeze %dma_wait3A_746 : memref<1x50x64xf32, #tpu.memory_space<vmem>> -> memref<50x64xf32, #tpu.memory_space<vmem>>
      %dma_wait3A_748 = arith.constant 0 : i32
      %dma_wait3A_749 = tpu.memref_slice %arg5[%dma_wait3A_742, %dma_wait3A_748] : memref<32x50xi32, #tpu.memory_space<vmem>> -> memref<1x50xi32, #tpu.memory_space<vmem>>
      %dma_wait3A_750 = tpu.memref_squeeze %dma_wait3A_749 : memref<1x50xi32, #tpu.memory_space<vmem>> -> memref<50xi32, #tpu.memory_space<vmem>>
      %dma_wait3A_751 = arith.constant 0 : i32
      %dma_wait3A_752 = arith.constant 0 : i32
      %dma_wait3A_753 = tpu.memref_slice %arg3[%dma_wait3A_751, %dma_wait3A_752] : memref<1000000x64xf32, #tpu.memory_space<hbm>> -> memref<1000000x64xf32, #tpu.memory_space<hbm>>
      tpu.wait_indirect_dma semaphore(%arg7 : memref<!tpu.dma_semaphore, #tpu.memory_space<semaphore_mem>>) src(%dma_wait3A_753 : memref<1000000x64xf32, #tpu.memory_space<hbm>>) dst(%dma_wait3A_747 : memref<50x64xf32, #tpu.memory_space<vmem>>)
      %dma_wait3A_754 = arith.constant 30 : i32
      %dma_wait3A_755 = arith.constant 30 : i32
      %dma_wait3A_756 = arith.constant 0 : i32
      %dma_wait3A_757 = arith.constant 0 : i32
      %dma_wait3A_758 = tpu.memref_slice %arg6[%dma_wait3A_755, %dma_wait3A_756, %dma_wait3A_757] : memref<32x50x64xf32, #tpu.memory_space<vmem>> -> memref<1x50x64xf32, #tpu.memory_space<vmem>>
      %dma_wait3A_759 = tpu.memref_squeeze %dma_wait3A_758 : memref<1x50x64xf32, #tpu.memory_space<vmem>> -> memref<50x64xf32, #tpu.memory_space<vmem>>
      %dma_wait3A_760 = arith.constant 0 : i32
      %dma_wait3A_761 = tpu.memref_slice %arg5[%dma_wait3A_754, %dma_wait3A_760] : memref<32x50xi32, #tpu.memory_space<vmem>> -> memref<1x50xi32, #tpu.memory_space<vmem>>
      %dma_wait3A_762 = tpu.memref_squeeze %dma_wait3A_761 : memref<1x50xi32, #tpu.memory_space<vmem>> -> memref<50xi32, #tpu.memory_space<vmem>>
      %dma_wait3A_763 = arith.constant 0 : i32
      %dma_wait3A_764 = arith.constant 0 : i32
      %dma_wait3A_765 = tpu.memref_slice %arg3[%dma_wait3A_763, %dma_wait3A_764] : memref<1000000x64xf32, #tpu.memory_space<hbm>> -> memref<1000000x64xf32, #tpu.memory_space<hbm>>
      tpu.wait_indirect_dma semaphore(%arg7 : memref<!tpu.dma_semaphore, #tpu.memory_space<semaphore_mem>>) src(%dma_wait3A_765 : memref<1000000x64xf32, #tpu.memory_space<hbm>>) dst(%dma_wait3A_759 : memref<50x64xf32, #tpu.memory_space<vmem>>)
      %dma_wait3A_766 = arith.constant 31 : i32
      %dma_wait3A_767 = arith.constant 31 : i32
      %dma_wait3A_768 = arith.constant 0 : i32
      %dma_wait3A_769 = arith.constant 0 : i32
      %dma_wait3A_770 = tpu.memref_slice %arg6[%dma_wait3A_767, %dma_wait3A_768, %dma_wait3A_769] : memref<32x50x64xf32, #tpu.memory_space<vmem>> -> memref<1x50x64xf32, #tpu.memory_space<vmem>>
      %dma_wait3A_771 = tpu.memref_squeeze %dma_wait3A_770 : memref<1x50x64xf32, #tpu.memory_space<vmem>> -> memref<50x64xf32, #tpu.memory_space<vmem>>
      %dma_wait3A_772 = arith.constant 0 : i32
      %dma_wait3A_773 = tpu.memref_slice %arg5[%dma_wait3A_766, %dma_wait3A_772] : memref<32x50xi32, #tpu.memory_space<vmem>> -> memref<1x50xi32, #tpu.memory_space<vmem>>
      %dma_wait3A_774 = tpu.memref_squeeze %dma_wait3A_773 : memref<1x50xi32, #tpu.memory_space<vmem>> -> memref<50xi32, #tpu.memory_space<vmem>>
      %dma_wait3A_775 = arith.constant 0 : i32
      %dma_wait3A_776 = arith.constant 0 : i32
      %dma_wait3A_777 = tpu.memref_slice %arg3[%dma_wait3A_775, %dma_wait3A_776] : memref<1000000x64xf32, #tpu.memory_space<hbm>> -> memref<1000000x64xf32, #tpu.memory_space<hbm>>
      tpu.wait_indirect_dma semaphore(%arg7 : memref<!tpu.dma_semaphore, #tpu.memory_space<semaphore_mem>>) src(%dma_wait3A_777 : memref<1000000x64xf32, #tpu.memory_space<hbm>>) dst(%dma_wait3A_771 : memref<50x64xf32, #tpu.memory_space<vmem>>)
      "tpu.region"() ({
        %run_scoped3A = tpu.sem_alloc : memref<!tpu.dma_semaphore, #tpu.memory_space<semaphore_mem>>
        %dma_start3A_778 = arith.constant 0 : i32
        %dma_start3A_779 = arith.constant 0 : i32
        %dma_start3A_780 = tpu.memref_slice %arg4[%add3A_11, %dma_start3A_778, %dma_start3A_779] : memref<16384x50x64xf32, #tpu.memory_space<hbm>> -> memref<32x50x64xf32, #tpu.memory_space<hbm>>
        %dma_start3A_781 = arith.constant 0 : i32
        %dma_start3A_782 = arith.constant 0 : i32
        %dma_start3A_783 = tpu.memref_slice %arg4[%add3A_11, %dma_start3A_781, %dma_start3A_782] : memref<16384x50x64xf32, #tpu.memory_space<hbm>> -> memref<32x50x64xf32, #tpu.memory_space<hbm>>
        tpu.enqueue_dma source(%arg6 : memref<32x50x64xf32, #tpu.memory_space<vmem>>) target(%dma_start3A_783 : memref<32x50x64xf32, #tpu.memory_space<hbm>>) target_semaphore(%run_scoped3A : memref<!tpu.dma_semaphore, #tpu.memory_space<semaphore_mem>>)
        %dma_wait3A_784 = arith.constant 0 : i32
        %dma_wait3A_785 = arith.constant 0 : i32
        %dma_wait3A_786 = tpu.memref_slice %arg4[%add3A_11, %dma_wait3A_784, %dma_wait3A_785] : memref<16384x50x64xf32, #tpu.memory_space<hbm>> -> memref<32x50x64xf32, #tpu.memory_space<hbm>>
        %dma_wait3A_787 = arith.constant 0 : i32
        %dma_wait3A_788 = arith.constant 0 : i32
        %dma_wait3A_789 = tpu.memref_slice %arg4[%add3A_11, %dma_wait3A_787, %dma_wait3A_788] : memref<16384x50x64xf32, #tpu.memory_space<hbm>> -> memref<32x50x64xf32, #tpu.memory_space<hbm>>
        tpu.wait_dma2 semaphore(%run_scoped3A : memref<!tpu.dma_semaphore, #tpu.memory_space<semaphore_mem>>) src(%arg6 : memref<32x50x64xf32, #tpu.memory_space<vmem>>) dst(%dma_wait3A_789 : memref<32x50x64xf32, #tpu.memory_space<hbm>>)
        tpu.yield
      }) : () -> ()
    }
    %scan3A_7 = arith.constant 16 : i32
    return
  }
}

</mosaic_0001>

<sc_bundles>
// kernel: kernel.3.cloned.1.call-start
scs
__scs_entry_jumppad:
0x0: {  	(pc) =	sbr.rel $0x88, $3  }
0x1: {  	(tag) =	ssettag $0x0;
	lr =	simm.s32 $0x1  }
0x2: {  	[smem:$0x3F9F] =	sst lr;
	_ =	strace $0xD0000000  }
0x3: {  	_ = 	snop  }
0x4: {  	_ = 	snop  }
0x5: {  	_ = 	snop  }
0x6: {  	_ = 	snop  }
0x7: {  	_ = 	snop  }
__scs_overlays_trampoline_lowered:
0x8: {  	[smem:$0x3FAE] =	sst s0  }
0x9: {  	[smem:$0x3FAF] =	sst s1  }
0xa: {  	[smem:$0x3FB0] =	sst s2  }
0xb: {  	[smem:$0x3FB1] =	sst s3  }
0xc: {  	[smem:$0x3FB2] =	sst s4  }
0xd: {  	[smem:$0x3FB3] =	sst s5  }
0xe: {  	[smem:$0x3FB4] =	sst s6  }
0xf: {  	[smem:$0x3FB5] =	sst s7  }
0x10: {  	[smem:$0x3FB6] =	sst s8  }
0x11: {  	[smem:$0x3FB7] =	sst s9;
	s0 =	simm.s32 @!p0 $0x0  }
0x12: {  	s1 =	sld [smem:$0x3F9D];
	s0 =	simm.s32 @p0 $0x1  }
0x13: {  	[smem:$0x3FB8] =	sst s0;
	s0 =	simm.s32 @!p1 $0x0  }
0x14: {  	s2 =	sld [smem:$0x3F9C];
	s0 =	simm.s32 @p1 $0x1  }
0x15: {  	[smem:$0x3FB9] =	sst s0;
	s0 =	simm.s32 @!p2 $0x0  }
0x16: {  	s3 =	sld [smem:$0x3FDB];
	s0 =	simm.s32 @p2 $0x1  }
0x17: {  	s4 =	simm.s32 $0x1BF5;
	[smem:$0x3FBB] =	sst s0  }
0x18: {  	s0 =	sld [smem:$0x3F9E];
	_ =	swait.ge [sflag:s4], $0x0  }
0x19: {  	s7 =	sld [smem:$0x3F9F]  }
0x1a: {  	s8 =	sadd.s32 $0xFFFFE003, lr  }
0x1b: {  	s9 =	sadd.s32 $0xFFFFFEF7, lr;
	s5 =	simm.s32 $0xFFFFFFFF;
	p2 =	slt.u32 s8, $0xFFFFF086  }
0x1c: {  	p1 =	slt.u32 s9, $0xF7A;
	s5 =	simm.s32 @!p2 $0x0  }
0x1d: {  	s5 =	simm.s32 @p1 $0x1;
	p0 =	seq.s32 s7, s2  }
0x1e: {  	s7 =	smul.u32 @!p0 $0xF7A, s2;
	p2 =	seq.s32 @!p0 s5, $0x0  }
0x1f: {  	s9 =	smul.u32 $0xF7A, s1;
	s8 =	simm.s32 @!p0 $0x1BF5;
	p2 =	por !p2, p0  }
0x20: {  	[sflag:s8] =	ssyncset.s32 @!p0 $0xFFFFF086;
	s6 =	sadd.s32 @!p0 s3, s7;
	s7 =	simm.s32 @!p0 $0x108  }
0x21: {  	s3 =	sadd.s32 s3, s9;
	s6 =	sadd.s32 @!p0 $0x88, s6;
	s7 =	simm.s32 @p2 $0x1082  }
0x22: {  	[simem:s7], [sflag:s8] =	dma.local @!p0 [hbm:s6], $0xF7A  }
0x23: {  	s9 =	sor.u32 $0xD0000000, s2;
	s6 =	simm.s32 $0x108;
	_ =	swait.ge @!p0 [sflag:s8], $0x0  }
0x24: {  	s3 =	sadd.s32 $0x88, s3;
	s6 =	simm.s32 @!p1 $0x1082;
	[sflag:s4] =	ssyncset.s32 $0xFFFFF086  }
0x25: {  	[simem:s6], [sflag:s4] =	dma.local [hbm:s3], $0xF7A  }
0x26: {  	[smem:$0x3F9F] =	sst s1;
	(tag) =	ssettag s2;
	_ =	strace s9  }
0x27: {  	s1 =	sld [smem:$0x3FAF]  }
0x28: {  	s2 =	sld [smem:$0x3FB0]  }
0x29: {  	s4 =	sld [smem:$0x3FB2]  }
0x2a: {  	p0 =	seq.s32 s5, $0x0;
	s5 =	sld [smem:$0x3FB3]  }
0x2b: {  	s6 =	sld [smem:$0x3FB4]  }
0x2c: {  	s7 =	sld [smem:$0x3FB5]  }
0x2d: {  	s3 =	simm.s32 $0x108;
	s8 =	sld [smem:$0x3FB6]  }
0x2e: {  	s3 =	simm.s32 @!p0 $0x1082;
	s9 =	sld [smem:$0x3FB7]  }
0x2f: {  	lr =	sadd.s32 s0, s3;
	s0 =	sld [smem:$0x3FAE]  }
0x30: {  	s3 =	sld [smem:$0x3FB1]  }
0x31: {  	[smem:$0x3FBA] =	sst s10  }
0x32: {  	s10 =	sld [smem:$0x3FB8];
	_ =	sdelay $0x3  }
0x33: {  	p0 =	seq.s32 s10, $0x1;
	s10 =	sld [smem:$0x3FBA];
	_ =	sdelay $0x3  }
0x34: {  	[smem:$0x3FBA] =	sst s10  }
0x35: {  	s10 =	sld [smem:$0x3FB9];
	_ =	sdelay $0x3  }
0x36: {  	p1 =	seq.s32 s10, $0x1;
	s10 =	sld [smem:$0x3FBA];
	_ =	sdelay $0x3  }
0x37: {  	[smem:$0x3FBA] =	sst s10  }
0x38: {  	s10 =	sld [smem:$0x3FBB]  }
0x39: {  	_ = 	snop;
	(pc) =	sbr.ind lr, $3  }
0x3a: {  	_ = 	snop  }
0x3b: {  	_ = 	snop  }
0x3c: {  	p2 =	seq.s32 s10, $0x1;
	s10 =	sld [smem:$0x3FBA]  }
0x3d: {  	_ =	shalt  }
0x3e: {  	_ =	shalt  }
0x3f: {  	_ =	shalt  }
0x40: {  	_ =	shalt  }
0x41: {  	_ =	shalt  }
0x42: {  	_ =	shalt  }
0x43: {  	_ =	shalt  }
0x44: {  	_ =	shalt  }
0x45: {  	_ =	shalt  }
0x46: {  	_ =	shalt  }
0x47: {  	_ =	shalt  }
0x48: {  	_ =	shalt  }
0x49: {  	_ =	shalt  }
0x4a: {  	_ =	shalt  }
0x4b: {  	_ =	shalt  }
0x4c: {  	_ =	shalt  }
0x4d: {  	_ =	shalt  }
0x4e: {  	_ =	shalt  }
0x4f: {  	_ =	shalt  }
0x50: {  	_ =	shalt  }
0x51: {  	_ =	shalt  }
0x52: {  	_ =	shalt  }
0x53: {  	_ =	shalt  }
0x54: {  	_ =	shalt  }
0x55: {  	_ =	shalt  }
0x56: {  	_ =	shalt  }
0x57: {  	_ =	shalt  }
0x58: {  	_ =	shalt  }
0x59: {  	_ =	shalt  }
0x5a: {  	_ =	shalt  }
0x5b: {  	_ =	shalt  }
0x5c: {  	_ =	shalt  }
0x5d: {  	_ =	shalt  }
0x5e: {  	_ =	shalt  }
0x5f: {  	_ =	shalt  }
0x60: {  	_ =	shalt  }
0x61: {  	_ =	shalt  }
0x62: {  	_ =	shalt  }
0x63: {  	_ =	shalt  }
0x64: {  	_ =	shalt  }
0x65: {  	_ =	shalt  }
0x66: {  	_ =	shalt  }
0x67: {  	_ =	shalt  }
0x68: {  	_ =	shalt  }
0x69: {  	_ =	shalt  }
0x6a: {  	_ =	shalt  }
0x6b: {  	_ =	shalt  }
0x6c: {  	_ =	shalt  }
0x6d: {  	_ =	shalt  }
0x6e: {  	_ =	shalt  }
0x6f: {  	_ =	shalt  }
0x70: {  	_ =	shalt  }
0x71: {  	_ =	shalt  }
0x72: {  	_ =	shalt  }
0x73: {  	_ =	shalt  }
0x74: {  	_ =	shalt  }
0x75: {  	_ =	shalt  }
0x76: {  	_ =	shalt  }
0x77: {  	_ =	shalt  }
0x78: {  	_ =	shalt  }
0x79: {  	_ =	shalt  }
0x7a: {  	_ =	shalt  }
0x7b: {  	_ =	shalt  }
0x7c: {  	_ =	shalt  }
0x7d: {  	_ =	shalt  }
0x7e: {  	_ =	shalt  }
0x7f: {  	_ =	shalt  }
0x80: {  	_ =	shalt  }
0x81: {  	_ =	shalt  }
0x82: {  	_ =	shalt  }
0x83: {  	_ =	shalt  }
0x84: {  	_ =	shalt  }
0x85: {  	_ =	shalt  }
0x86: {  	_ =	shalt  }
0x87: {  	_ =	shalt  }
.Lfunc_end0:
.L_simem_size_0:
called_computation.1_lowered:
.L_overlay_start_0:
0x88: {  	s2 =	sld [smem:$0x3FD9]  }
0x89: {  	s3 =	sld [smem:$0x3FFE];
	_ =	sdelay $0x1  }
0x8a: {  	s1 =	srdreg.scid  }
0x8b: {  	s0 =	sand.u32 $0x1, s1  }
0x8c: {  	s17 =	sshll.u32 s0, $0xA;
	s2 =	sadd.s32 s3, s2  }
0x8d: {  	s2 =	sadd.s32 s2, s17  }
0x8e: {  	[smem:$0x3FC6] =	sst s2  }
0x8f: {  	_ = 	snop  }
0x90: {  	s2 =	sld [smem:$0x3FD0];
	(tm) =	ssettm $0x1  }
0x91: {  	s18 =	sld [smem:$0x3FFB];
	_ =	sdelay $0x3  }
0x92: {  	_ =	strace s18  }
0x93: {  	s3 =	sld [smem:$0x3FFC];
	_ =	sdelay $0x3  }
0x94: {  	_ =	strace s3  }
0x95: {  	s3 =	sld [smem:$0x3FFD];
	_ =	sdelay $0x3  }
0x96: {  	_ =	strace s3  }
0x97: {  	_ =	strace $0x8FFFFFFF  }
0x98: {  	s19 =	sld [smem:$0x3FDB];
	_ =	sdelay $0x1  }
0x99: {  	s4 =	simm.s32 $_scs_section_size  }
0x9a: {  	s5 =	simm.s32 $_size__tile_overlayer_lowered;
	s6 =	simm.s32 $_tile_overlayer_lowered  }
0x9b: {  	s22 =	simm.s32 $0x1BFF;
	s21 =	sshll.u32 s6, $0x1;
	s3 =	sadd.s32 s4, s19  }
0x9c: {  	s7 =	simm.s32 $0x0;
	s20 =	sshll.u32 s5, $0x1;
	s5 =	sadd.s32 s21, s3  }
0x9d: {  	[timem:s7], [sflag:s22] =	dma.local [hbm:s5], s20  }
0x9e: {  	_ =	swait.ge [sflag:s22], s20  }
0x9f: {  	s4 =	ssub.s32 $0x0, s20;
	[sflag:s22] =	ssyncset.done $0x0  }
0xa0: {  	[sflag:s22] =	ssyncadd.s32 s4;
	_ =	sdelay $0x1  }
0xa1: {  	s23 =	simm.s32 $0x1B8B  }
0xa2: {  	_ =	swait.ge [sflag:s23], $0x1  }
0xa3: {  	[sflag:s23] =	ssyncset.done $0x0  }
0xa4: {  	s25 =	simm.s32 $0x1B8E;
	s24 =	sld [smem:$0x3FFE];
	[sflag:s23] =	ssyncadd.s32 $0xFFFFFFFF  }
0xa5: {  	s26 =	simm.s32 $execute0_lowered;
	[smem:$0x3FD2] =	sst s25  }
0xa6: {  	s5 =	sshll.u32 s26, $0x1;
	_ =	strace $0x80000046;
	[dreg:$0x1] =	wrdreg $0xFFFFFFFF  }
0xa7: {  	s28 =	simm.s32 $_size_execute0_lowered;
	s3 =	sadd.s32 s3, s5;
	[dreg:$0x0] =	wrdreg $0x0  }
0xa8: {  	s5 =	sshll.u32 s28, $0x1;
	[dreg:$0x2] =	wrdreg s3  }
0xa9: {  	[dreg:$0x3] =	wrdreg s5  }
0xaa: {  	[dreg:$0x4] =	wrdreg $0xC0  }
0xab: {  	_ =	task [dreg:s7], $0x5FFFF  }
0xac: {  	[dreg:$0x1] =	wrdreg $0xFFFFFFFF  }
0xad: {  	[dreg:$0x0] =	wrdreg $0x60  }
0xae: {  	[dreg:$0x2] =	wrdreg s24  }
0xaf: {  	[dreg:$0x3] =	wrdreg s2  }
0xb0: {  	[dreg:$0x4] =	wrdreg $0x9  }
0xb1: {  	_ =	task.clear_ibuf [dreg:s7], $0x5FFFF;
	_ =	strace $0x90000046  }
0xb2: {  	s29 =	simm.s32 $0x9;
	_ =	strace $0x80000048  }
0xb3: {  	_ =	swait.ge [sflag:s29], $0x1  }
0xb4: {  	[sflag:s29] =	ssyncadd.s32 $0xFFFFFFFF  }
0xb5: {  	_ =	strace $0x90000048  }
0xb6: {  	_ =	sfence  }
0xb7: {  	s30 =	sld [smem:$0x0];
	_ =	sdelay $0x2  }
0xb8: {  	s31 =	sshll.u32 s1, $0xD;
	s1 =	sshrl.u32 s1, $0x2  }
0xb9: {  	s3 =	sand.u32 $0x4000, s31;
	s1 =	sadd.s32 s1, s30  }
0xba: {  	s0 =	sor.u32 s3, s0;
	s1 =	sshll.u32 s1, $0x11  }
0xbb: {  	s0 =	sor.u32 s1, s0  }
0xbc: {  	s0 =	sadd.s32 $0x8F2B, s0  }
0xbd: {  	[sflag:s0] =	ssyncadd.remote.s32 $0x1  }
0xbe: {  	_ =	sfence.sel $0xFFFF  }
0xbf: {  	[dreg:$0x0] =	wrdreg $0xFFFFFFFF;
	(pc) =	sbr.abs _section_cstart, $3  }
0xc0: {  	[dreg:$0x1] =	wrdreg $0xFFFFFFFF  }
0xc1: {  	_ =	task.clear_ibuf [dreg:s7], $0x2FFFF;
	_ =	strace $0x9FFFFFFF  }
0xc2: {  	(tm) =	ssettm $0x7FFFFFFF  }
0xc3: {  	_ =	shalt  }
tec
execute0_lowered:
.L_overlay_start_1:
0x0: {  	(tag) =	ssettag $0x1  }
0x1: {  	s0 =	srdreg.scid;
	s3 =	rddreg [dreg:$0x0]  }
0x2: {  	s2 =	simm.s32 $0x0;
	s1 =	sand.u32 $0x1, s0;
	s0 =	rddreg [dreg:$0x1]  }
0x3: {  	s11 =	simm.s32 $0x38;
	[smem:$0x7FF] =	sst s2  }
0x4: {  	s12 =	simm.s32 $0x1380;
	_ =	strace $0x80000047;
	[dreg:$0x4] =	wrdreg s11  }
0x5: {  	s13 =	simm.s32 $0x70;
	[dreg:$0x5] =	wrdreg s12  }
0x6: {  	s14 =	simm.s32 $0x2000;
	[dreg:$0x6] =	wrdreg s13  }
0x7: {  	s15 =	simm.s32 $0xA8;
	[dreg:$0x7] =	wrdreg s14  }
0x8: {  	s16 =	simm.s32 $0x2C80;
	[dreg:$0x8] =	wrdreg s15  }
0x9: {  	s17 =	simm.s32 $0xE0;
	[dreg:$0x9] =	wrdreg s16  }
0xa: {  	s18 =	simm.s32 $0x3900;
	[dreg:$0xa] =	wrdreg s17  }
0xb: {  	s19 =	simm.s32 $0x118;
	[dreg:$0xb] =	wrdreg s18  }
0xc: {  	s20 =	simm.s32 $0x4580;
	[dreg:$0xc] =	wrdreg s19  }
0xd: {  	s21 =	simm.s32 $0x150;
	[dreg:$0xd] =	wrdreg s20  }
0xe: {  	s22 =	simm.s32 $0x5200;
	[dreg:$0xe] =	wrdreg s21  }
0xf: {  	s23 =	simm.s32 $0x188;
	[dreg:$0xf] =	wrdreg s22  }
0x10: {  	s24 =	simm.s32 $0x5E80;
	[dreg:$0x10] =	wrdreg s23  }
0x11: {  	s25 =	simm.s32 $0x1C0;
	[dreg:$0x11] =	wrdreg s24  }
0x12: {  	s26 =	simm.s32 $0x6B00;
	[dreg:$0x12] =	wrdreg s25  }
0x13: {  	s28 =	simm.s32 $0x1F8;
	[dreg:$0x13] =	wrdreg s26  }
0x14: {  	s29 =	simm.s32 $0x7780;
	[dreg:$0x14] =	wrdreg s28  }
0x15: {  	s31 =	simm.s32 $0x230;
	[dreg:$0x15] =	wrdreg s29  }
0x16: {  	s2 =	simm.s32 $0x8400;
	[dreg:$0x16] =	wrdreg s31  }
0x17: {  	s6 =	simm.s32 $0x9080;
	[dreg:$0x17] =	wrdreg s2  }
0x18: {  	s8 =	simm.s32 $0x2A0;
	[dreg:$0x19] =	wrdreg s6  }
0x19: {  	s9 =	simm.s32 $0x9D00;
	[dreg:$0x1a] =	wrdreg s8  }
0x1a: {  	s10 =	simm.s32 $0x2D8;
	[dreg:$0x1b] =	wrdreg s9  }
0x1b: {  	[dreg:$0x1c] =	wrdreg s10;
	s11 =	simm.s32 $0xA980  }
0x1c: {  	s12 =	simm.s32 $0x310;
	[dreg:$0x1d] =	wrdreg s11  }
0x1d: {  	s7 =	stileid.u32;
	s13 =	simm.s32 $0xB600;
	[dreg:$0x1e] =	wrdreg s12  }
0x1e: {  	s30 =	simm.s32 $0x1;
	s14 =	simm.s32 $0x348;
	[dreg:$0x1f] =	wrdreg s13  }
0x1f: {  	s4 =	smul.u32 $0x1C00, s7;
	s15 =	simm.s32 $0xC280;
	[smem:$0x7EE] =	sst s14  }
0x20: {  	s5 =	smul.u32 $0xE00, s1;
	s16 =	simm.s32 $0x380;
	[smem:$0x7EF] =	sst s15  }
0x21: {  	s17 =	simm.s32 $0xCF00;
	s18 =	ssub.s32 $0x2, s1;
	[smem:$0x7F0] =	sst s16  }
0x22: {  	s19 =	simm.s32 $0x3B8;
	s20 =	simm.s32 $0xDB80;
	[smem:$0x7F1] =	sst s17  }
0x23: {  	s21 =	simm.s32 $0x3F0;
	s22 =	simm.s32 $0xE800;
	[smem:$0x7F2] =	sst s19  }
0x24: {  	s23 =	smul.u32 $0x64000, s7;
	s24 =	simm.s32 $0x428;
	[smem:$0x7F3] =	sst s20  }
0x25: {  	s1 =	smul.u32 $0x32000, s1;
	s25 =	simm.s32 $0xF480;
	[smem:$0x7F5] =	sst s21  }
0x26: {  	s26 =	simm.s32 $0x460;
	s28 =	simm.s32 $0x10100;
	[smem:$0x7F6] =	sst s22  }
0x27: {  	s29 =	simm.s32 $0x498;
	s7 =	simm.s32 $0x32;
	[smem:$0x7F7] =	sst s24  }
0x28: {  	s31 =	simm.s32 $0x10D80;
	s2 =	simm.s32 $0x700;
	[smem:$0x7F8] =	sst s25  }
0x29: {  	s8 =	simm.s32 $0x11A00;
	s9 =	simm.s32 $0x508;
	[smem:$0x7FA] =	sst s26  }
0x2a: {  	s10 =	simm.s32 $0x12680;
	s4 =	sadd.s32 s4, s3;
	[smem:$0x7FB] =	sst s28  }
0x2b: {  	s3 =	sadd.s32 $0xF42E00, s3;
	s6 =	sshrl.u32 s18, $0x1;
	[smem:$0x7FC] =	sst s29  }
0x2c: {  	[smem:$0x7FD] =	sst s31;
	s11 =	simm.s32 $0x540;
	s12 =	simm.s32 $0x13300  }
0x2d: {  	s13 =	simm.s32 $0x578;
	s14 =	simm.s32 $0x13F80;
	s15 =	simm.s32 $0x5B0  }
0x2e: {  	s16 =	simm.s32 $0x14C00;
	s17 =	simm.s32 $0x5E8;
	s19 =	simm.s32 $0x620  }
0x2f: {  	s20 =	simm.s32 $0x16500;
	s21 =	simm.s32 $0x658;
	s22 =	simm.s32 $0x17180  }
0x30: {  	s24 =	simm.s32 $0x17E00;
	s25 =	simm.s32 $0x6C8;
	s26 =	simm.s32 $0x18A80  }
0x31: {  	s4 =	sadd.s32 s5, s4;
	s5 =	simm.s32 $0x268;
	s0 =	sadd.s32 s23, s0  }
0x32: {  	s23 =	simm.s32 $0x690;
	s4 =	sadd.s32 $0xA00, s4;
	[dreg:$0x18] =	wrdreg s5  }
0x33: {  	s5 =	ssub.s32 s18, s6;
	s0 =	sadd.s32 s1, s0;
	[dreg:$0x3] =	wrdreg s4  }
0x34: {  	s6 =	simm.s32 $0x4D0;
	s5 =	smax.u32 s5, $0x1;
	[smem:$0x7F9] =	sst s0  }
0x35: {  	s18 =	simm.s32 $0x15880;
	s4 =	simm.s32 $0x0;
	[smem:$0x7F4] =	sst s5  }
.LBB2_1:
0x36: {  	[smem:$0x7ED] =	sst s4  }
0x37: {  	s0 =	rddreg [dreg:$0x3]  }
0x38: {  	s5 =	simm.s32 $0x0;
	s31 =	simm.s32 $0x2;
	s0 =	sadd.s32 $0x0, s0  }
0x39: {  	[tilespmem:s5], [sflag:$0x2] =	stream.linear.gather [hbm4b:s0+s5], $0x700, $0x38;
	[tilespmem:$0x19700] =	vst v63  }
0x3a: {  	_ =	swait.ge [sflag:s31], $0x700  }
0x3b: {  	s0 =	rddreg [dreg:$0x6]  }
0x3c: {  	s1 =	rddreg [dreg:$0x4]  }
0x3d: {  	s28 =	rddreg [dreg:$0x5]  }
0x3e: {  	[sflag:s31] =	ssyncset.done $0x0;
	s29 =	rddreg [dreg:$0x7]  }
0x3f: {  	[sflag:s31] =	ssyncadd.s32 $0xFFFFF900;
	s31 =	rddreg [dreg:$0x8]  }
0x40: {  	[tilespmem:s2], [sflag:$0x1] =	stream.indirect.gather [hbm4b:s3+s7], $0x40, s5, s7, $0xb8;
	[tilespmem:$0x19700] =	vst v63  }
0x41: {  	s2 =	rddreg [dreg:$0x9]  }
0x42: {  	s5 =	sld [smem:$0x7FB]  }
0x43: {  	[tilespmem:s28], [sflag:$0x1] =	stream.indirect.gather [hbm4b:s3+s7], $0x40, s1, s7, $0xb8;
	[tilespmem:$0x19700] =	vst v63  }
0x44: {  	s28 =	rddreg [dreg:$0xb]  }
0x45: {  	[tilespmem:s29], [sflag:$0x1] =	stream.indirect.gather [hbm4b:s3+s7], $0x40, s0, s7, $0xb8;
	[tilespmem:$0x19700] =	vst v63  }
0x46: {  	s29 =	rddreg [dreg:$0xa]  }
0x47: {  	[tilespmem:s2], [sflag:$0x1] =	stream.indirect.gather [hbm4b:s3+s7], $0x40, s31, s7, $0xb8;
	[tilespmem:$0x19700] =	vst v63  }
0x48: {  	s31 =	rddreg [dreg:$0xd]  }
0x49: {  	s2 =	rddreg [dreg:$0xc]  }
0x4a: {  	[tilespmem:s28], [sflag:$0x1] =	stream.indirect.gather [hbm4b:s3+s7], $0x40, s29, s7, $0xb8;
	[tilespmem:$0x19700] =	vst v63  }
0x4b: {  	s28 =	rddreg [dreg:$0xf]  }
0x4c: {  	s29 =	rddreg [dreg:$0xe]  }
0x4d: {  	[tilespmem:s31], [sflag:$0x1] =	stream.indirect.gather [hbm4b:s3+s7], $0x40, s2, s7, $0xb8;
	[tilespmem:$0x19700] =	vst v63  }
0x4e: {  	s31 =	rddreg [dreg:$0x11]  }
0x4f: {  	s2 =	rddreg [dreg:$0x10]  }
0x50: {  	[tilespmem:s28], [sflag:$0x1] =	stream.indirect.gather [hbm4b:s3+s7], $0x40, s29, s7, $0xb8;
	[tilespmem:$0x19700] =	vst v63  }
0x51: {  	s28 =	rddreg [dreg:$0x13]  }
0x52: {  	s29 =	rddreg [dreg:$0x12]  }
0x53: {  	[tilespmem:s31], [sflag:$0x1] =	stream.indirect.gather [hbm4b:s3+s7], $0x40, s2, s7, $0xb8;
	[tilespmem:$0x19700] =	vst v63  }
0x54: {  	s31 =	rddreg [dreg:$0x15]  }
0x55: {  	s2 =	rddreg [dreg:$0x14]  }
0x56: {  	[tilespmem:s28], [sflag:$0x1] =	stream.indirect.gather [hbm4b:s3+s7], $0x40, s29, s7, $0xb8;
	[tilespmem:$0x19700] =	vst v63  }
0x57: {  	s28 =	rddreg [dreg:$0x17]  }
0x58: {  	s29 =	rddreg [dreg:$0x16]  }
0x59: {  	[tilespmem:s31], [sflag:$0x1] =	stream.indirect.gather [hbm4b:s3+s7], $0x40, s2, s7, $0xb8;
	[tilespmem:$0x19700] =	vst v63  }
0x5a: {  	s31 =	rddreg [dreg:$0x19]  }
0x5b: {  	s2 =	rddreg [dreg:$0x18]  }
0x5c: {  	[tilespmem:s28], [sflag:$0x1] =	stream.indirect.gather [hbm4b:s3+s7], $0x40, s29, s7, $0xb8;
	[tilespmem:$0x19700] =	vst v63  }
0x5d: {  	s28 =	rddreg [dreg:$0x1b]  }
0x5e: {  	s29 =	rddreg [dreg:$0x1a]  }
0x5f: {  	[tilespmem:s31], [sflag:$0x1] =	stream.indirect.gather [hbm4b:s3+s7], $0x40, s2, s7, $0xb8;
	[tilespmem:$0x19700] =	vst v63  }
0x60: {  	s31 =	rddreg [dreg:$0x1d]  }
0x61: {  	s2 =	rddreg [dreg:$0x1c]  }
0x62: {  	[tilespmem:s28], [sflag:$0x1] =	stream.indirect.gather [hbm4b:s3+s7], $0x40, s29, s7, $0xb8;
	[tilespmem:$0x19700] =	vst v63  }
0x63: {  	s28 =	rddreg [dreg:$0x1f]  }
0x64: {  	s29 =	rddreg [dreg:$0x1e]  }
0x65: {  	[tilespmem:s31], [sflag:$0x1] =	stream.indirect.gather [hbm4b:s3+s7], $0x40, s2, s7, $0xb8;
	[tilespmem:$0x19700] =	vst v63  }
0x66: {  	s31 =	sld [smem:$0x7EF]  }
0x67: {  	s2 =	sld [smem:$0x7EE]  }
0x68: {  	[tilespmem:s28], [sflag:$0x1] =	stream.indirect.gather [hbm4b:s3+s7], $0x40, s29, s7, $0xb8;
	[tilespmem:$0x19700] =	vst v63  }
0x69: {  	s28 =	sld [smem:$0x7F1]  }
0x6a: {  	s29 =	sld [smem:$0x7F0]  }
0x6b: {  	[tilespmem:s31], [sflag:$0x1] =	stream.indirect.gather [hbm4b:s3+s7], $0x40, s2, s7, $0xb8;
	[tilespmem:$0x19700] =	vst v63  }
0x6c: {  	s31 =	sld [smem:$0x7F3]  }
0x6d: {  	s2 =	sld [smem:$0x7F2]  }
0x6e: {  	[tilespmem:s28], [sflag:$0x1] =	stream.indirect.gather [hbm4b:s3+s7], $0x40, s29, s7, $0xb8;
	[tilespmem:$0x19700] =	vst v63  }
0x6f: {  	s28 =	sld [smem:$0x7F6]  }
0x70: {  	s29 =	sld [smem:$0x7F5]  }
0x71: {  	[tilespmem:s31], [sflag:$0x1] =	stream.indirect.gather [hbm4b:s3+s7], $0x40, s2, s7, $0xb8;
	[tilespmem:$0x19700] =	vst v63  }
0x72: {  	s31 =	sld [smem:$0x7F8]  }
0x73: {  	s2 =	sld [smem:$0x7F7]  }
0x74: {  	[tilespmem:s28], [sflag:$0x1] =	stream.indirect.gather [hbm4b:s3+s7], $0x40, s29, s7, $0xb8;
	[tilespmem:$0x19700] =	vst v63  }
0x75: {  	s28 =	sld [smem:$0x7FA]  }
0x76: {  	s29 =	sld [smem:$0x7FD]  }
0x77: {  	[tilespmem:s31], [sflag:$0x1] =	stream.indirect.gather [hbm4b:s3+s7], $0x40, s2, s7, $0xb8;
	[tilespmem:$0x19700] =	vst v63  }
0x78: {  	s31 =	sld [smem:$0x7FC]  }
0x79: {  	[tilespmem:s5], [sflag:$0x1] =	stream.indirect.gather [hbm4b:s3+s7], $0x40, s28, s7, $0xb8;
	[tilespmem:$0x19700] =	vst v63  }
0x7a: {  	_ = 	snop  }
0x7b: {  	[tilespmem:s29], [sflag:$0x1] =	stream.indirect.gather [hbm4b:s3+s7], $0x40, s31, s7, $0xb8;
	[tilespmem:$0x19700] =	vst v63  }
0x7c: {  	_ = 	snop  }
0x7d: {  	[tilespmem:s8], [sflag:$0x1] =	stream.indirect.gather [hbm4b:s3+s7], $0x40, s6, s7, $0xb8;
	[tilespmem:$0x19700] =	vst v63  }
0x7e: {  	_ = 	snop  }
0x7f: {  	[tilespmem:s10], [sflag:$0x1] =	stream.indirect.gather [hbm4b:s3+s7], $0x40, s9, s7, $0xb8;
	[tilespmem:$0x19700] =	vst v63  }
0x80: {  	_ = 	snop  }
0x81: {  	[tilespmem:s12], [sflag:$0x1] =	stream.indirect.gather [hbm4b:s3+s7], $0x40, s11, s7, $0xb8;
	[tilespmem:$0x19700] =	vst v63  }
0x82: {  	_ = 	snop  }
0x83: {  	[tilespmem:s14], [sflag:$0x1] =	stream.indirect.gather [hbm4b:s3+s7], $0x40, s13, s7, $0xb8;
	[tilespmem:$0x19700] =	vst v63  }
0x84: {  	_ = 	snop  }
0x85: {  	[tilespmem:s16], [sflag:$0x1] =	stream.indirect.gather [hbm4b:s3+s7], $0x40, s15, s7, $0xb8;
	[tilespmem:$0x19700] =	vst v63  }
0x86: {  	_ = 	snop  }
0x87: {  	[tilespmem:s18], [sflag:$0x1] =	stream.indirect.gather [hbm4b:s3+s7], $0x40, s17, s7, $0xb8;
	[tilespmem:$0x19700] =	vst v63  }
0x88: {  	_ = 	snop  }
0x89: {  	[tilespmem:s20], [sflag:$0x1] =	stream.indirect.gather [hbm4b:s3+s7], $0x40, s19, s7, $0xb8;
	[tilespmem:$0x19700] =	vst v63  }
0x8a: {  	_ = 	snop  }
0x8b: {  	[tilespmem:s22], [sflag:$0x1] =	stream.indirect.gather [hbm4b:s3+s7], $0x40, s21, s7, $0xb8;
	[tilespmem:$0x19700] =	vst v63  }
0x8c: {  	_ = 	snop  }
0x8d: {  	[tilespmem:s24], [sflag:$0x1] =	stream.indirect.gather [hbm4b:s3+s7], $0x40, s23, s7, $0xb8;
	[tilespmem:$0x19700] =	vst v63  }
0x8e: {  	_ = 	snop  }
0x8f: {  	[tilespmem:s26], [sflag:$0x1] =	stream.indirect.gather [hbm4b:s3+s7], $0x40, s25, s7, $0xb8;
	[tilespmem:$0x19700] =	vst v63  }
0x90: {  	_ =	swait.ge [sflag:s30], $0xC80  }
0x91: {  	[sflag:s30] =	ssyncset.done $0x0  }
0x92: {  	[sflag:s30] =	ssyncadd.s32 $0xFFFFF380  }
0x93: {  	_ =	swait.ge [sflag:s30], $0xC80  }
0x94: {  	[sflag:s30] =	ssyncset.done $0x0  }
0x95: {  	[sflag:s30] =	ssyncadd.s32 $0xFFFFF380  }
0x96: {  	_ =	swait.ge [sflag:s30], $0xC80  }
0x97: {  	[sflag:s30] =	ssyncset.done $0x0  }
0x98: {  	[sflag:s30] =	ssyncadd.s32 $0xFFFFF380  }
0x99: {  	_ =	swait.ge [sflag:s30], $0xC80  }
0x9a: {  	[sflag:s30] =	ssyncset.done $0x0  }
0x9b: {  	[sflag:s30] =	ssyncadd.s32 $0xFFFFF380  }
0x9c: {  	_ =	swait.ge [sflag:s30], $0xC80  }
0x9d: {  	[sflag:s30] =	ssyncset.done $0x0  }
0x9e: {  	[sflag:s30] =	ssyncadd.s32 $0xFFFFF380  }
0x9f: {  	_ =	swait.ge [sflag:s30], $0xC80  }
0xa0: {  	[sflag:s30] =	ssyncset.done $0x0  }
0xa1: {  	[sflag:s30] =	ssyncadd.s32 $0xFFFFF380  }
0xa2: {  	_ =	swait.ge [sflag:s30], $0xC80  }
0xa3: {  	[sflag:s30] =	ssyncset.done $0x0  }
0xa4: {  	[sflag:s30] =	ssyncadd.s32 $0xFFFFF380  }
0xa5: {  	_ =	swait.ge [sflag:s30], $0xC80  }
0xa6: {  	[sflag:s30] =	ssyncset.done $0x0  }
0xa7: {  	[sflag:s30] =	ssyncadd.s32 $0xFFFFF380  }
0xa8: {  	_ =	swait.ge [sflag:s30], $0xC80  }
0xa9: {  	[sflag:s30] =	ssyncset.done $0x0  }
0xaa: {  	[sflag:s30] =	ssyncadd.s32 $0xFFFFF380  }
0xab: {  	_ =	swait.ge [sflag:s30], $0xC80  }
0xac: {  	[sflag:s30] =	ssyncset.done $0x0  }
0xad: {  	[sflag:s30] =	ssyncadd.s32 $0xFFFFF380  }
0xae: {  	_ =	swait.ge [sflag:s30], $0xC80  }
0xaf: {  	[sflag:s30] =	ssyncset.done $0x0  }
0xb0: {  	[sflag:s30] =	ssyncadd.s32 $0xFFFFF380  }
0xb1: {  	_ =	swait.ge [sflag:s30], $0xC80  }
0xb2: {  	[sflag:s30] =	ssyncset.done $0x0  }
0xb3: {  	[sflag:s30] =	ssyncadd.s32 $0xFFFFF380  }
0xb4: {  	_ =	swait.ge [sflag:s30], $0xC80  }
0xb5: {  	[sflag:s30] =	ssyncset.done $0x0  }
0xb6: {  	[sflag:s30] =	ssyncadd.s32 $0xFFFFF380  }
0xb7: {  	_ =	swait.ge [sflag:s30], $0xC80  }
0xb8: {  	[sflag:s30] =	ssyncset.done $0x0  }
0xb9: {  	[sflag:s30] =	ssyncadd.s32 $0xFFFFF380  }
0xba: {  	_ =	swait.ge [sflag:s30], $0xC80  }
0xbb: {  	[sflag:s30] =	ssyncset.done $0x0  }
0xbc: {  	[sflag:s30] =	ssyncadd.s32 $0xFFFFF380  }
0xbd: {  	_ =	swait.ge [sflag:s30], $0xC80  }
0xbe: {  	[sflag:s30] =	ssyncset.done $0x0  }
0xbf: {  	[sflag:s30] =	ssyncadd.s32 $0xFFFFF380  }
0xc0: {  	_ =	swait.ge [sflag:s30], $0xC80  }
0xc1: {  	[sflag:s30] =	ssyncset.done $0x0  }
0xc2: {  	[sflag:s30] =	ssyncadd.s32 $0xFFFFF380  }
0xc3: {  	_ =	swait.ge [sflag:s30], $0xC80  }
0xc4: {  	[sflag:s30] =	ssyncset.done $0x0  }
0xc5: {  	[sflag:s30] =	ssyncadd.s32 $0xFFFFF380  }
0xc6: {  	_ =	swait.ge [sflag:s30], $0xC80  }
0xc7: {  	[sflag:s30] =	ssyncset.done $0x0  }
0xc8: {  	[sflag:s30] =	ssyncadd.s32 $0xFFFFF380  }
0xc9: {  	_ =	swait.ge [sflag:s30], $0xC80  }
0xca: {  	[sflag:s30] =	ssyncset.done $0x0  }
0xcb: {  	[sflag:s30] =	ssyncadd.s32 $0xFFFFF380  }
0xcc: {  	_ =	swait.ge [sflag:s30], $0xC80  }
0xcd: {  	[sflag:s30] =	ssyncset.done $0x0  }
0xce: {  	[sflag:s30] =	ssyncadd.s32 $0xFFFFF380  }
0xcf: {  	_ =	swait.ge [sflag:s30], $0xC80  }
0xd0: {  	[sflag:s30] =	ssyncset.done $0x0  }
0xd1: {  	[sflag:s30] =	ssyncadd.s32 $0xFFFFF380  }
0xd2: {  	_ =	swait.ge [sflag:s30], $0xC80  }
0xd3: {  	[sflag:s30] =	ssyncset.done $0x0  }
0xd4: {  	[sflag:s30] =	ssyncadd.s32 $0xFFFFF380  }
0xd5: {  	_ =	swait.ge [sflag:s30], $0xC80  }
0xd6: {  	[sflag:s30] =	ssyncset.done $0x0  }
0xd7: {  	[sflag:s30] =	ssyncadd.s32 $0xFFFFF380  }
0xd8: {  	_ =	swait.ge [sflag:s30], $0xC80  }
0xd9: {  	[sflag:s30] =	ssyncset.done $0x0  }
0xda: {  	[sflag:s30] =	ssyncadd.s32 $0xFFFFF380  }
0xdb: {  	_ =	swait.ge [sflag:s30], $0xC80  }
0xdc: {  	[sflag:s30] =	ssyncset.done $0x0  }
0xdd: {  	[sflag:s30] =	ssyncadd.s32 $0xFFFFF380  }
0xde: {  	_ =	swait.ge [sflag:s30], $0xC80  }
0xdf: {  	s5 =	sld [smem:$0x7F9];
	_ =	sdelay $0x2  }
0xe0: {  	s0 =	simm.s32 $0xE0;
	s1 =	smov.u32 s5  }
.LBB2_2:
0xe1: {  	[sflag:s30] =	ssyncset.done $0x0  }
0xe2: {  	[sflag:s30] =	ssyncadd.s32 $0xFFFFF380  }
0xe3: {  	_ =	swait.ge [sflag:s30], $0xC80  }
0xe4: {  	[sflag:s30] =	ssyncset.done $0x0  }
0xe5: {  	[sflag:s30] =	ssyncadd.s32 $0xFFFFF380  }
0xe6: {  	_ =	swait.ge [sflag:s30], $0xC80  }
0xe7: {  	[sflag:s30] =	ssyncset.done $0x0  }
0xe8: {  	[sflag:s30] =	ssyncadd.s32 $0xFFFFF380  }
0xe9: {  	_ =	swait.ge [sflag:s30], $0xC80  }
0xea: {  	[sflag:s30] =	ssyncset.done $0x0  }
0xeb: {  	[sflag:s30] =	ssyncadd.s32 $0xFFFFF380  }
0xec: {  	_ =	swait.ge [sflag:s30], $0xC80  }
0xed: {  	[sflag:s30] =	ssyncset.done $0x0  }
0xee: {  	[sflag:s30] =	ssyncadd.s32 $0xFFFFF380  }
0xef: {  	_ =	swait.ge [sflag:s30], $0xC80  }
0xf0: {  	s8 =	simm.s32 $0x700;
	[sflag:s30] =	ssyncset.done $0x0  }
0xf1: {  	s6 =	simm.s32 $0x0;
	s2 =	simm.s32 $0x2;
	[sflag:s30] =	ssyncadd.s32 $0xFFFFF380  }
0xf2: {  	[hbm4b:s5+s6] =	stream.linear.scatter [tilespmem:s8], [sflag:$0x2], $0x19000, $0x38;
	[tilespmem:$0x19700] =	vst v63  }
0xf3: {  	_ =	swait.ge [sflag:s2], $0x19000  }
0xf4: {  	s4 =	smov.u32 s0;
	s9 =	rddreg [dreg:$0x3];
	[sflag:s2] =	ssyncset.done $0x0  }
0xf5: {  	[sflag:s2] =	ssyncadd.s32 $0xFFFE7000;
	s4 =	sadd.s32 s4, s9  }
0xf6: {  	[tilespmem:s6], [sflag:$0x2] =	stream.linear.gather [hbm4b:s4+s6], $0x700, $0x38;
	[tilespmem:$0x19700] =	vst v63  }
0xf7: {  	_ =	swait.ge [sflag:s2], $0x700  }
0xf8: {  	s4 =	sld [smem:$0x7FD]  }
0xf9: {  	s31 =	sld [smem:$0x7FB]  }
0xfa: {  	s9 =	sld [smem:$0x7F8]  }
0xfb: {  	s10 =	sld [smem:$0x7F6]  }
0xfc: {  	s11 =	sld [smem:$0x7F3]  }
0xfd: {  	s12 =	sld [smem:$0x7F1]  }
0xfe: {  	s13 =	sld [smem:$0x7EF]  }
0xff: {  	s14 =	rddreg [dreg:$0x1f]  }
0x100: {  	s15 =	rddreg [dreg:$0x1d]  }
0x101: {  	s16 =	rddreg [dreg:$0x1b]  }
0x102: {  	s17 =	rddreg [dreg:$0x19]  }
0x103: {  	s18 =	rddreg [dreg:$0x17]  }
0x104: {  	s19 =	rddreg [dreg:$0x15]  }
0x105: {  	s20 =	rddreg [dreg:$0x13]  }
0x106: {  	s21 =	rddreg [dreg:$0x11]  }
0x107: {  	s22 =	rddreg [dreg:$0xf]  }
0x108: {  	s23 =	rddreg [dreg:$0xd]  }
0x109: {  	s24 =	rddreg [dreg:$0xb]  }
0x10a: {  	s25 =	rddreg [dreg:$0x8]  }
0x10b: {  	s26 =	rddreg [dreg:$0x6]  }
0x10c: {  	[sflag:s2] =	ssyncset.done $0x0;
	s28 =	rddreg [dreg:$0x4]  }
0x10d: {  	s29 =	rddreg [dreg:$0x5];
	[sflag:s2] =	ssyncadd.s32 $0xFFFFF900  }
0x10e: {  	[tilespmem:s8], [sflag:$0x1] =	stream.indirect.gather [hbm4b:s3+s7], $0x40, s6, s7, $0xb8;
	[tilespmem:$0x19700] =	vst v63  }
0x10f: {  	s8 =	rddreg [dreg:$0x7]  }
0x110: {  	[tilespmem:s29], [sflag:$0x1] =	stream.indirect.gather [hbm4b:s3+s7], $0x40, s28, s7, $0xb8;
	[tilespmem:$0x19700] =	vst v63  }
0x111: {  	s29 =	rddreg [dreg:$0x9]  }
0x112: {  	[tilespmem:s8], [sflag:$0x1] =	stream.indirect.gather [hbm4b:s3+s7], $0x40, s26, s7, $0xb8;
	[tilespmem:$0x19700] =	vst v63  }
0x113: {  	s28 =	rddreg [dreg:$0xe]  }
0x114: {  	[tilespmem:s29], [sflag:$0x1] =	stream.indirect.gather [hbm4b:s3+s7], $0x40, s25, s7, $0xb8;
	[tilespmem:$0x19700] =	vst v63  }
0x115: {  	s8 =	rddreg [dreg:$0xa]  }
0x116: {  	[tilespmem:s24], [sflag:$0x1] =	stream.indirect.gather [hbm4b:s3+s7], $0x40, s8, s7, $0xb8;
	[tilespmem:$0x19700] =	vst v63  }
0x117: {  	s29 =	rddreg [dreg:$0xc]  }
0x118: {  	[tilespmem:s23], [sflag:$0x1] =	stream.indirect.gather [hbm4b:s3+s7], $0x40, s29, s7, $0xb8;
	[tilespmem:$0x19700] =	vst v63  }
0x119: {  	s29 =	rddreg [dreg:$0x10]  }
0x11a: {  	[tilespmem:s22], [sflag:$0x1] =	stream.indirect.gather [hbm4b:s3+s7], $0x40, s28, s7, $0xb8;
	[tilespmem:$0x19700] =	vst v63  }
0x11b: {  	s28 =	rddreg [dreg:$0x12]  }
0x11c: {  	[tilespmem:s21], [sflag:$0x1] =	stream.indirect.gather [hbm4b:s3+s7], $0x40, s29, s7, $0xb8;
	[tilespmem:$0x19700] =	vst v63  }
0x11d: {  	s29 =	rddreg [dreg:$0x14]  }
0x11e: {  	[tilespmem:s20], [sflag:$0x1] =	stream.indirect.gather [hbm4b:s3+s7], $0x40, s28, s7, $0xb8;
	[tilespmem:$0x19700] =	vst v63  }
0x11f: {  	s28 =	rddreg [dreg:$0x16]  }
0x120: {  	[tilespmem:s19], [sflag:$0x1] =	stream.indirect.gather [hbm4b:s3+s7], $0x40, s29, s7, $0xb8;
	[tilespmem:$0x19700] =	vst v63  }
0x121: {  	s29 =	rddreg [dreg:$0x18]  }
0x122: {  	[tilespmem:s18], [sflag:$0x1] =	stream.indirect.gather [hbm4b:s3+s7], $0x40, s28, s7, $0xb8;
	[tilespmem:$0x19700] =	vst v63  }
0x123: {  	s28 =	rddreg [dreg:$0x1a]  }
0x124: {  	[tilespmem:s17], [sflag:$0x1] =	stream.indirect.gather [hbm4b:s3+s7], $0x40, s29, s7, $0xb8;
	[tilespmem:$0x19700] =	vst v63  }
0x125: {  	s29 =	rddreg [dreg:$0x1c]  }
0x126: {  	[tilespmem:s16], [sflag:$0x1] =	stream.indirect.gather [hbm4b:s3+s7], $0x40, s28, s7, $0xb8;
	[tilespmem:$0x19700] =	vst v63  }
0x127: {  	s28 =	rddreg [dreg:$0x1e]  }
0x128: {  	[tilespmem:s15], [sflag:$0x1] =	stream.indirect.gather [hbm4b:s3+s7], $0x40, s29, s7, $0xb8;
	[tilespmem:$0x19700] =	vst v63  }
0x129: {  	s29 =	sld [smem:$0x7EE]  }
0x12a: {  	[tilespmem:s14], [sflag:$0x1] =	stream.indirect.gather [hbm4b:s3+s7], $0x40, s28, s7, $0xb8;
	[tilespmem:$0x19700] =	vst v63  }
0x12b: {  	s28 =	sld [smem:$0x7F0]  }
0x12c: {  	[tilespmem:s13], [sflag:$0x1] =	stream.indirect.gather [hbm4b:s3+s7], $0x40, s29, s7, $0xb8;
	[tilespmem:$0x19700] =	vst v63  }
0x12d: {  	s29 =	sld [smem:$0x7F2]  }
0x12e: {  	[tilespmem:s12], [sflag:$0x1] =	stream.indirect.gather [hbm4b:s3+s7], $0x40, s28, s7, $0xb8;
	[tilespmem:$0x19700] =	vst v63  }
0x12f: {  	s28 =	sld [smem:$0x7F5]  }
0x130: {  	[tilespmem:s11], [sflag:$0x1] =	stream.indirect.gather [hbm4b:s3+s7], $0x40, s29, s7, $0xb8;
	[tilespmem:$0x19700] =	vst v63  }
0x131: {  	s29 =	sld [smem:$0x7F7]  }
0x132: {  	[tilespmem:s10], [sflag:$0x1] =	stream.indirect.gather [hbm4b:s3+s7], $0x40, s28, s7, $0xb8;
	[tilespmem:$0x19700] =	vst v63  }
0x133: {  	s28 =	sld [smem:$0x7FA]  }
0x134: {  	[tilespmem:s9], [sflag:$0x1] =	stream.indirect.gather [hbm4b:s3+s7], $0x40, s29, s7, $0xb8;
	[tilespmem:$0x19700] =	vst v63  }
0x135: {  	s29 =	sld [smem:$0x7FC]  }
0x136: {  	[tilespmem:s31], [sflag:$0x1] =	stream.indirect.gather [hbm4b:s3+s7], $0x40, s28, s7, $0xb8;
	[tilespmem:$0x19700] =	vst v63  }
0x137: {  	_ = 	snop  }
0x138: {  	[tilespmem:s4], [sflag:$0x1] =	stream.indirect.gather [hbm4b:s3+s7], $0x40, s29, s7, $0xb8;
	[tilespmem:$0x19700] =	vst v63  }
0x139: {  	s6 =	simm.s32 $0x4D0;
	s8 =	simm.s32 $0x11A00  }
0x13a: {  	[tilespmem:s8], [sflag:$0x1] =	stream.indirect.gather [hbm4b:s3+s7], $0x40, s6, s7, $0xb8;
	[tilespmem:$0x19700] =	vst v63  }
0x13b: {  	s10 =	simm.s32 $0x12680;
	s9 =	simm.s32 $0x508  }
0x13c: {  	[tilespmem:s10], [sflag:$0x1] =	stream.indirect.gather [hbm4b:s3+s7], $0x40, s9, s7, $0xb8;
	[tilespmem:$0x19700] =	vst v63  }
0x13d: {  	s12 =	simm.s32 $0x13300;
	s11 =	simm.s32 $0x540  }
0x13e: {  	[tilespmem:s12], [sflag:$0x1] =	stream.indirect.gather [hbm4b:s3+s7], $0x40, s11, s7, $0xb8;
	[tilespmem:$0x19700] =	vst v63  }
0x13f: {  	s14 =	simm.s32 $0x13F80;
	s13 =	simm.s32 $0x578  }
0x140: {  	[tilespmem:s14], [sflag:$0x1] =	stream.indirect.gather [hbm4b:s3+s7], $0x40, s13, s7, $0xb8;
	[tilespmem:$0x19700] =	vst v63  }
0x141: {  	s16 =	simm.s32 $0x14C00;
	s15 =	simm.s32 $0x5B0  }
0x142: {  	[tilespmem:s16], [sflag:$0x1] =	stream.indirect.gather [hbm4b:s3+s7], $0x40, s15, s7, $0xb8;
	[tilespmem:$0x19700] =	vst v63  }
0x143: {  	s18 =	simm.s32 $0x15880;
	s17 =	simm.s32 $0x5E8  }
0x144: {  	[tilespmem:s18], [sflag:$0x1] =	stream.indirect.gather [hbm4b:s3+s7], $0x40, s17, s7, $0xb8;
	[tilespmem:$0x19700] =	vst v63  }
0x145: {  	s20 =	simm.s32 $0x16500;
	s19 =	simm.s32 $0x620  }
0x146: {  	[tilespmem:s20], [sflag:$0x1] =	stream.indirect.gather [hbm4b:s3+s7], $0x40, s19, s7, $0xb8;
	[tilespmem:$0x19700] =	vst v63  }
0x147: {  	s22 =	simm.s32 $0x17180;
	s21 =	simm.s32 $0x658  }
0x148: {  	[tilespmem:s22], [sflag:$0x1] =	stream.indirect.gather [hbm4b:s3+s7], $0x40, s21, s7, $0xb8;
	[tilespmem:$0x19700] =	vst v63  }
0x149: {  	s24 =	simm.s32 $0x17E00;
	s23 =	simm.s32 $0x690  }
0x14a: {  	[tilespmem:s24], [sflag:$0x1] =	stream.indirect.gather [hbm4b:s3+s7], $0x40, s23, s7, $0xb8;
	[tilespmem:$0x19700] =	vst v63  }
0x14b: {  	s26 =	simm.s32 $0x18A80;
	s25 =	simm.s32 $0x6C8  }
0x14c: {  	[tilespmem:s26], [sflag:$0x1] =	stream.indirect.gather [hbm4b:s3+s7], $0x40, s25, s7, $0xb8;
	[tilespmem:$0x19700] =	vst v63  }
0x14d: {  	_ =	swait.ge [sflag:s30], $0xC80  }
0x14e: {  	[sflag:s30] =	ssyncset.done $0x0  }
0x14f: {  	[sflag:s30] =	ssyncadd.s32 $0xFFFFF380  }
0x150: {  	_ =	swait.ge [sflag:s30], $0xC80  }
0x151: {  	[sflag:s30] =	ssyncset.done $0x0  }
0x152: {  	[sflag:s30] =	ssyncadd.s32 $0xFFFFF380  }
0x153: {  	_ =	swait.ge [sflag:s30], $0xC80  }
0x154: {  	[sflag:s30] =	ssyncset.done $0x0  }
0x155: {  	[sflag:s30] =	ssyncadd.s32 $0xFFFFF380  }
0x156: {  	_ =	swait.ge [sflag:s30], $0xC80  }
0x157: {  	[sflag:s30] =	ssyncset.done $0x0  }
0x158: {  	[sflag:s30] =	ssyncadd.s32 $0xFFFFF380  }
0x159: {  	_ =	swait.ge [sflag:s30], $0xC80  }
0x15a: {  	[sflag:s30] =	ssyncset.done $0x0  }
0x15b: {  	[sflag:s30] =	ssyncadd.s32 $0xFFFFF380  }
0x15c: {  	_ =	swait.ge [sflag:s30], $0xC80  }
0x15d: {  	[sflag:s30] =	ssyncset.done $0x0  }
0x15e: {  	[sflag:s30] =	ssyncadd.s32 $0xFFFFF380  }
0x15f: {  	_ =	swait.ge [sflag:s30], $0xC80  }
0x160: {  	[sflag:s30] =	ssyncset.done $0x0  }
0x161: {  	[sflag:s30] =	ssyncadd.s32 $0xFFFFF380  }
0x162: {  	_ =	swait.ge [sflag:s30], $0xC80  }
0x163: {  	[sflag:s30] =	ssyncset.done $0x0  }
0x164: {  	[sflag:s30] =	ssyncadd.s32 $0xFFFFF380  }
0x165: {  	_ =	swait.ge [sflag:s30], $0xC80  }
0x166: {  	[sflag:s30] =	ssyncset.done $0x0  }
0x167: {  	[sflag:s30] =	ssyncadd.s32 $0xFFFFF380  }
0x168: {  	_ =	swait.ge [sflag:s30], $0xC80  }
0x169: {  	[sflag:s30] =	ssyncset.done $0x0  }
0x16a: {  	[sflag:s30] =	ssyncadd.s32 $0xFFFFF380  }
0x16b: {  	_ =	swait.ge [sflag:s30], $0xC80  }
0x16c: {  	[sflag:s30] =	ssyncset.done $0x0  }
0x16d: {  	[sflag:s30] =	ssyncadd.s32 $0xFFFFF380  }
0x16e: {  	_ =	swait.ge [sflag:s30], $0xC80  }
0x16f: {  	[sflag:s30] =	ssyncset.done $0x0  }
0x170: {  	[sflag:s30] =	ssyncadd.s32 $0xFFFFF380  }
0x171: {  	_ =	swait.ge [sflag:s30], $0xC80  }
0x172: {  	[sflag:s30] =	ssyncset.done $0x0  }
0x173: {  	[sflag:s30] =	ssyncadd.s32 $0xFFFFF380  }
0x174: {  	_ =	swait.ge [sflag:s30], $0xC80  }
0x175: {  	[sflag:s30] =	ssyncset.done $0x0  }
0x176: {  	[sflag:s30] =	ssyncadd.s32 $0xFFFFF380  }
0x177: {  	_ =	swait.ge [sflag:s30], $0xC80  }
0x178: {  	[sflag:s30] =	ssyncset.done $0x0  }
0x179: {  	[sflag:s30] =	ssyncadd.s32 $0xFFFFF380  }
0x17a: {  	_ =	swait.ge [sflag:s30], $0xC80  }
0x17b: {  	[sflag:s30] =	ssyncset.done $0x0  }
0x17c: {  	[sflag:s30] =	ssyncadd.s32 $0xFFFFF380  }
0x17d: {  	_ =	swait.ge [sflag:s30], $0xC80  }
0x17e: {  	[sflag:s30] =	ssyncset.done $0x0  }
0x17f: {  	[sflag:s30] =	ssyncadd.s32 $0xFFFFF380  }
0x180: {  	_ =	swait.ge [sflag:s30], $0xC80  }
0x181: {  	[sflag:s30] =	ssyncset.done $0x0  }
0x182: {  	[sflag:s30] =	ssyncadd.s32 $0xFFFFF380  }
0x183: {  	_ =	swait.ge [sflag:s30], $0xC80  }
0x184: {  	[sflag:s30] =	ssyncset.done $0x0  }
0x185: {  	[sflag:s30] =	ssyncadd.s32 $0xFFFFF380  }
0x186: {  	_ =	swait.ge [sflag:s30], $0xC80  }
0x187: {  	[sflag:s30] =	ssyncset.done $0x0  }
0x188: {  	[sflag:s30] =	ssyncadd.s32 $0xFFFFF380  }
0x189: {  	_ =	swait.ge [sflag:s30], $0xC80  }
0x18a: {  	[sflag:s30] =	ssyncset.done $0x0  }
0x18b: {  	[sflag:s30] =	ssyncadd.s32 $0xFFFFF380  }
0x18c: {  	_ =	swait.ge [sflag:s30], $0xC80  }
0x18d: {  	[sflag:s30] =	ssyncset.done $0x0  }
0x18e: {  	[sflag:s30] =	ssyncadd.s32 $0xFFFFF380  }
0x18f: {  	_ =	swait.ge [sflag:s30], $0xC80  }
0x190: {  	[sflag:s30] =	ssyncset.done $0x0  }
0x191: {  	[sflag:s30] =	ssyncadd.s32 $0xFFFFF380  }
0x192: {  	_ =	swait.ge [sflag:s30], $0xC80  }
0x193: {  	[sflag:s30] =	ssyncset.done $0x0  }
0x194: {  	[sflag:s30] =	ssyncadd.s32 $0xFFFFF380  }
0x195: {  	_ =	swait.ge [sflag:s30], $0xC80  }
0x196: {  	p0 =	sne.s32 s0, $0xD20;
	[sflag:s30] =	ssyncset.done $0x0  }
.Ltmp0:
0x197: {  	[sflag:s30] =	ssyncadd.s32 $0xFFFFF380;
	(pc) =	sbr.rel @p0 .LBB2_2-.Ltmp0, $4  }
0x198: {  	_ =	swait.ge [sflag:s30], $0xC80  }
0x199: {  	[sflag:s30] =	ssyncset.done $0x0  }
0x19a: {  	s1 =	sadd.s32 $0x3200, s1;
	s0 =	sadd.s32 $0xE0, s0;
	[sflag:s30] =	ssyncadd.s32 $0xFFFFF380  }
0x19b: {  	s5 =	smov.u32 s1;
	s2 =	simm.s32 $0x700;
	_ =	swait.ge [sflag:s30], $0xC80  }
0x19c: {  	[sflag:s30] =	ssyncset.done $0x0  }
0x19d: {  	[sflag:s30] =	ssyncadd.s32 $0xFFFFF380  }
0x19e: {  	_ =	swait.ge [sflag:s30], $0xC80  }
0x19f: {  	[sflag:s30] =	ssyncset.done $0x0  }
0x1a0: {  	[sflag:s30] =	ssyncadd.s32 $0xFFFFF380  }
0x1a1: {  	_ =	swait.ge [sflag:s30], $0xC80  }
0x1a2: {  	[sflag:s30] =	ssyncset.done $0x0  }
0x1a3: {  	[sflag:s30] =	ssyncadd.s32 $0xFFFFF380  }
0x1a4: {  	_ =	swait.ge [sflag:s30], $0xC80  }
0x1a5: {  	[sflag:s30] =	ssyncset.done $0x0  }
0x1a6: {  	[sflag:s30] =	ssyncadd.s32 $0xFFFFF380  }
0x1a7: {  	_ =	swait.ge [sflag:s30], $0xC80  }
0x1a8: {  	[sflag:s30] =	ssyncset.done $0x0  }
0x1a9: {  	[sflag:s30] =	ssyncadd.s32 $0xFFFFF380  }
0x1aa: {  	_ =	swait.ge [sflag:s30], $0xC80  }
0x1ab: {  	[sflag:s30] =	ssyncset.done $0x0  }
0x1ac: {  	s0 =	simm.s32 $0x0;
	s1 =	simm.s32 $0x2;
	[sflag:s30] =	ssyncadd.s32 $0xFFFFF380  }
0x1ad: {  	[hbm4b:s5+s0] =	stream.linear.scatter [tilespmem:s2], [sflag:$0x2], $0x19000, $0x38;
	[tilespmem:$0x19700] =	vst v63  }
0x1ae: {  	_ =	swait.ge [sflag:s1], $0x19000  }
0x1af: {  	s4 =	sld [smem:$0x7ED]  }
0x1b0: {  	s31 =	sld [smem:$0x7F4];
	_ =	sdelay $0x1  }
0x1b1: {  	s4 =	sadd.s32 $0x1, s4  }
0x1b2: {  	p0 =	sne.s32 s4, s31  }
.Ltmp1:
0x1b3: {  	_ = 	snop;
	(pc) =	sbr.rel @p0 .LBB2_1-.Ltmp1, $3  }
0x1b4: {  	_ =	sdelay $0x1  }
0x1b5: {  	[sflag:s1] =	ssyncset.done $0x0  }
0x1b6: {  	[sflag:s1] =	ssyncadd.s32 $0xFFFE7000  }
0x1b7: {  	_ =	sfence.sel $0x180000  }
0x1b8: {  	[bflag:$0x0] =	sbarrier.arrive $0xFFFF  }
0x1b9: {  	_ =	strace $0x90000047  }
0x1ba: {  	s0 =	stileid.u32;
	[bflag:$0x2] =	sbarrier.arrive $0xFFFF  }
0x1bb: {  	p0 =	sne.s32 s0, $0x0;
	s0 =	rddreg [dreg:$0x2]  }
0x1bc: {  	s0 =	sadd.s32 @!p0 $0x100000, s0  }
0x1bd: {  	[sflag:s0] =	ssyncadd.tile.s32 @!p0 $0x1;
	_ =	shalt  }
.Lfunc_end2:
_tile_overlayer_lowered:
.L_overlay_start_2:
0x1be: {  	(tag) =	ssettag $0x2  }
0x1bf: {  	s0 =	rddreg [dreg:$0x0];
	s2 =	stileid.u32  }
0x1c0: {  	s1 =	rddreg [dreg:$0x1];
	p0 =	sne.s32 s2, $0x0  }
0x1c1: {  	s3 =	rddreg [dreg:$0x2];
	[bflag:$0x3] =	sbarrier.arrive $0xFFFF;
	s2 =	simm.s32 @!p0 $0x1C02  }
0x1c2: {  	[timem:s3], [sflag:s2] =	dma.local @!p0 [hbm:s0], s1  }
0x1c3: {  	s0 =	simm.s32 @!p0 $0x2  }
0x1c4: {  	_ =	swait.ge @!p0 [sflag:s0], s1  }
0x1c5: {  	s1 =	ssub.s32 @!p0 $0x0, s1;
	[sflag:s0] =	ssyncset.done @!p0 $0x0  }
0x1c6: {  	[sflag:s0] =	ssyncadd.s32 @!p0 s1  }
0x1c7: {  	[bflag:$0x3] =	sbarrier.arrive $0xFFFF  }
0x1c8: {  	_ =	shalt  }

// kernel: sparse-core-data-format-call.cloned.1.call-start
scs
called_computation_lowered:
.L_overlay_start_0:
0x0: {  	s2 =	sld [smem:$0x3FD9]  }
0x1: {  	s3 =	sld [smem:$0x3FFE];
	_ =	sdelay $0x1  }
0x2: {  	s1 =	srdreg.scid  }
0x3: {  	s0 =	sand.u32 $0x1, s1  }
0x4: {  	s18 =	sshll.u32 s0, $0xA;
	s2 =	sadd.s32 s3, s2  }
0x5: {  	s2 =	sadd.s32 s2, s18  }
0x6: {  	[smem:$0x3FC6] =	sst s2  }
0x7: {  	_ = 	snop  }
0x8: {  	s2 =	sld [smem:$0x3FD0];
	(tm) =	ssettm $0x1  }
0x9: {  	s19 =	sld [smem:$0x3FFB];
	_ =	sdelay $0x3  }
0xa: {  	_ =	strace s19  }
0xb: {  	s3 =	sld [smem:$0x3FFC];
	_ =	sdelay $0x3  }
0xc: {  	_ =	strace s3  }
0xd: {  	s3 =	sld [smem:$0x3FFD];
	_ =	sdelay $0x3  }
0xe: {  	_ =	strace s3  }
0xf: {  	_ =	strace $0x8FFFFFFF  }
0x10: {  	s20 =	sld [smem:$0x3FDB];
	_ =	sdelay $0x1  }
0x11: {  	s4 =	simm.s32 $_scs_section_size  }
0x12: {  	s5 =	simm.s32 $_size__tile_overlayer_lowered;
	s6 =	simm.s32 $_tile_overlayer_lowered  }
0x13: {  	s23 =	simm.s32 $0x1BFF;
	s22 =	sshll.u32 s6, $0x1;
	s3 =	sadd.s32 s4, s20  }
0x14: {  	s7 =	simm.s32 $0x0;
	s21 =	sshll.u32 s5, $0x1;
	s5 =	sadd.s32 s22, s3  }
0x15: {  	[timem:s7], [sflag:s23] =	dma.local [hbm:s5], s21  }
0x16: {  	_ =	swait.ge [sflag:s23], s21  }
0x17: {  	s4 =	ssub.s32 $0x0, s21;
	[sflag:s23] =	ssyncset.done $0x0  }
0x18: {  	[sflag:s23] =	ssyncadd.s32 s4;
	_ =	sdelay $0x1  }
0x19: {  	s24 =	simm.s32 $0x1B8B  }
0x1a: {  	_ =	swait.ge [sflag:s24], $0x1  }
0x1b: {  	[sflag:s24] =	ssyncset.done $0x0  }
0x1c: {  	s26 =	simm.s32 $0x1B8E;
	s25 =	sld [smem:$0x3FFE];
	[sflag:s24] =	ssyncadd.s32 $0xFFFFFFFF  }
0x1d: {  	s27 =	simm.s32 $execute0_lowered;
	[smem:$0x3FD2] =	sst s26  }
0x1e: {  	s5 =	sshll.u32 s27, $0x1;
	_ =	strace $0x80000049;
	[dreg:$0x1] =	wrdreg $0xFFFFFFFF  }
0x1f: {  	s28 =	simm.s32 $_size_execute0_lowered;
	s3 =	sadd.s32 s3, s5;
	[dreg:$0x0] =	wrdreg $0x0  }
0x20: {  	s5 =	sshll.u32 s28, $0x1;
	[dreg:$0x2] =	wrdreg s3  }
0x21: {  	[dreg:$0x3] =	wrdreg s5  }
0x22: {  	[dreg:$0x4] =	wrdreg $0xC0  }
0x23: {  	_ =	task [dreg:s7], $0x5FFFF  }
0x24: {  	[dreg:$0x1] =	wrdreg $0xFFFFFFFF  }
0x25: {  	[dreg:$0x0] =	wrdreg $0x60  }
0x26: {  	[dreg:$0x2] =	wrdreg s25  }
0x27: {  	[dreg:$0x3] =	wrdreg s2  }
0x28: {  	[dreg:$0x4] =	wrdreg $0x9  }
0x29: {  	_ =	task.clear_ibuf [dreg:s7], $0x5FFFF;
	_ =	strace $0x90000049  }
0x2a: {  	s29 =	simm.s32 $0x9;
	_ =	strace $0x8000004B  }
0x2b: {  	_ =	swait.ge [sflag:s29], $0x1  }
0x2c: {  	[sflag:s29] =	ssyncadd.s32 $0xFFFFFFFF  }
0x2d: {  	_ =	strace $0x9000004B  }
0x2e: {  	_ =	sfence  }
0x2f: {  	s30 =	sld [smem:$0x0];
	_ =	sdelay $0x2  }
0x30: {  	s31 =	sshll.u32 s1, $0xD;
	s1 =	sshrl.u32 s1, $0x2  }
0x31: {  	s3 =	sand.u32 $0x4000, s31;
	s1 =	sadd.s32 s1, s30  }
0x32: {  	s0 =	sor.u32 s3, s0;
	s1 =	sshll.u32 s1, $0x11  }
0x33: {  	s0 =	sor.u32 s1, s0  }
0x34: {  	s0 =	sadd.s32 $0x8F2B, s0  }
0x35: {  	[sflag:s0] =	ssyncadd.remote.s32 $0x1  }
0x36: {  	_ =	sfence.sel $0xFFFF  }
0x37: {  	[dreg:$0x0] =	wrdreg $0xFFFFFFFF;
	(pc) =	sbr.abs _section_cstart, $3  }
0x38: {  	[dreg:$0x1] =	wrdreg $0xFFFFFFFF  }
0x39: {  	_ =	task.clear_ibuf [dreg:s7], $0x2FFFF;
	_ =	strace $0x9FFFFFFF  }
0x3a: {  	(tm) =	ssettm $0x7FFFFFFF  }
0x3b: {  	_ =	shalt  }
tec
execute0_lowered:
.L_overlay_start_1:
0x0: {  	(tag) =	ssettag $0x1  }
0x1: {  	s0 =	srdreg.scid  }
0x2: {  	s1 =	sshll.u32 s0, $0x4  }
0x3: {  	s0 =	stileid.u32;
	s1 =	sand.u32 $0x10, s1  }
0x4: {  	s1 =	sor.u32 s0, s1  }
0x5: {  	s6 =	rddreg [dreg:$0x0];
	s4 =	simm.s32 $0x1;
	s2 =	sshll.u32 s1, $0x7  }
0x6: {  	s7 =	simm.s32 $0x2;
	s12 =	simm.s32 $0x0;
	s1 =	ssub.s32 $0x4000, s2  }
0x7: {  	s8 =	simm.s32 $0x20000;
	s13 =	simm.s32 $0x0;
	s3 =	sand.u32 $0xF80, s1  }
0x8: {  	s9 =	simm.s32 $0x0;
	s5 =	sshrl.u32 s1, $0xC;
	p0 =	sne.s32 s3, $0x0  }
.Ltmp0:
0x9: {  	s1 =	rddreg [dreg:$0x2];
	s4 =	simm.s32 @!p0 $0x0;
	(pc) =	sbr.rel .LBB1_1-.Ltmp0, $4  }
0xa: {  	s11 =	simm.s32 $0x0;
	s3 =	rddreg [dreg:$0x1];
	s5 =	sadd.s32 s4, s5  }
0xb: {  	_ =	strace $0x8000004A;
	s4 =	simm.s32 $0x1;
	s5 =	smul.u32 $0x32, s5  }
0xc: {  	s6 =	sadd.s32 $0xA00, s6;
	s10 =	smov.u32 s2;
	[sflag:s4] =	ssyncpa.u1 $0x0  }
0xd: {  	p0 =	por $0x0, $0x0;
	[sflag:s7] =	ssyncpa.u1 $0x0;
	s7 =	sor.u32 $0x1, s5  }
.LBB1_4:
0xe: {  	s16 =	sshll.u32 s13, $0x3;
	s17 =	sand.u32 $0x78, s13  }
0xf: {  	s30 =	sand.u32 $0x1F800, s13;
	s12 =	sshll.u32 s12, $0x11;
	s16 =	sand.u32 $0x3C00, s16  }
0x10: {  	[tilespmem:s15+$0x810 ss:$0x81] =	vst.msk $0xffff, v2;
	s31 =	sand.u32 $0x7, s13;
	s16 =	sor.u32 s17, s16;
	s17 =	sadd.s32 s3, s30  }
0x11: {  	[tilespmem:s15+$0x1020 ss:$0x81] =	vst.msk $0xffff, v0;
	s13 =	sshll.u32 s31, $0x12;
	s12 =	sadd.s32 s12, s17;
	s16 =	sshrl.u32 s16, $0x3  }
0x12: {  	[tilespmem:s15+$0x0 ss:$0x81] =	vst.msk $0xffff, v1;
	s13 =	sor.u32 $0x400, s13;
	s12 =	sadd.s32 s16, s12  }
0x13: {  	[hbm4b:s12+s13] =	stream.strided.scatter [tilespmem:s14], [sflag:$0x2], $0x2000, s8, s13, $0x20;
	[tilespmem:$0x8080] =	vst v63  }
.LBB1_5:
0x14: {  	s14 =	sadd.s32 $0x1, s9  }
0x15: {  	s12 =	sadd.s32 $0x1000, s10;
	s16 =	smov.u32 s10;
	p2 =	sgt.s32 s14, $0x31  }
0x16: {  	s16 =	smov.u32 @p2 s12  }
0x17: {  	s14 =	simm.s32 @p2 $0x0;
	p2 =	sgt.s32 s16, $0x3FFF  }
0x18: {  	s16 =	smov.u32 @p2 s2;
	p2 =	sne.s32 s11, s7  }
.Ltmp1:
0x19: {  	p1 =	slt.u32 s11, $0x2;
	(pc) =	sbr.rel @!p2 .LBB1_6-.Ltmp1, $4  }
0x1a: {  	s15 =	simm.s32 @!p1 $0x2  }
0x1b: {  	s13 =	smov.u32 s10;
	p0 =	por !p0, !p0;
	_ =	swait.ge @!p1 [sflag:s15], $0x2000  }
0x1c: {  	s12 =	smov.u32 s9;
	[sflag:s15] =	ssyncset.done @!p1 $0x0;
	s9 =	smov.u32 s14  }
0x1d: {  	s11 =	sadd.s32 $0x1, s11;
	[sflag:s15] =	ssyncadd.s32 @!p1 $0xFFFFE000;
	s10 =	smov.u32 s16  }
.LBB1_1:
0x1e: {  	p1 =	sge.u32 s11, s5  }
0x1f: {  	s14 =	sand.u32 @!p1 $0x1FFFFFF, s9  }
0x20: {  	s15 =	smulhi.u32 @!p1 $0x4924925, s14;
	_ =	sdelay $0x1  }
0x21: {  	s15 =	smul.u32 @!p1 $0x38, s15  }
0x22: {  	s16 =	sxor.u32 @!p1 $0xFFFFFFFF, s11;
	s17 =	smul.u32 @!p1 $0x380, s10  }
0x23: {  	s31 =	sadd.s32 $0xFFFFFFFF, s11;
	s16 =	sshll.u32 @!p1 s16, $0xD;
	s14 =	ssub.s32 @!p1 s14, s15  }
0x24: {  	s15 =	sand.u32 @!p1 $0x2000, s16;
	s16 =	sadd.s32 @!p1 s6, s17;
	s14 =	sshll.u32 @!p1 s14, $0x4  }
0x25: {  	s17 =	simm.s32 @!p1 $0x1C00;
	s14 =	sadd.s32 @!p1 s14, s16;
	s16 =	simm.s32 @!p1 $0x40  }
0x26: {  	[tilespmem:s15], [sflag:$0x1] =	stream.strided.gather @!p1 [hbm4b:s14+s16], $0x2000, s17, s16, $0x38;
	[tilespmem:$0x8080] =	vst v63  }
0x27: {  	p1 =	sge.u32 s31, s5  }
.Ltmp2:
0x28: {  	_ = 	snop;
	(pc) =	sbr.rel @p1 .LBB1_5-.Ltmp2, $1  }
0x29: {  	_ =	sdelay $0x3  }
0x2a: {  	s14 =	simm.s32 $0x1  }
0x2b: {  	_ =	swait.ge [sflag:s4], $0x2000;
	s14 =	simm.s32 @!p0 $0x0  }
0x2c: {  	[sflag:s4] =	ssyncset.done $0x0;
	s15 =	sshll.u32 s14, $0xD  }
0x2d: {  	[sflag:s4] =	ssyncadd.s32 $0xFFFFE000;
	s18 =	sor.u32 $0x20, s15  }
0x2e: {  	s14 =	smul.u32 $0x8100, s14;
	v3 =	vld [tilespmem:s18+$0x10]  }
0x2f: {  	s30 =	sand.u32 $0x1, s11;
	v2 =	vld [tilespmem:s18+$0xFFFFFFF0]  }
0x30: {  	s15 =	smul.u32 $0x8100, s30;
	s14 =	sshrl.u32 s14, $0x2;
	v0 =	vld [tilespmem:s18+$0x0]  }
0x31: {  	v1 =	vld [tilespmem:s18+$0xFFFFFFE0];
	s16 =	sor.u32 $0x4000, s14  }
0x32: {  	s31 =	sshrl.u32 s15, $0x2;
	s15 =	sadd.s32 $0x0, s16  }
0x33: {  	s17 =	simm.s32 $0x4;
	s18 =	sadd.s32 $0x40, s18;
	s14 =	sor.u32 $0x4000, s31;
	[tilespmem:s15+$0x1830 ss:$0x81] =	vst.msk $0xffff, v3  }
.LBB1_3:
0x34: {  	v3 =	vld [tilespmem:s18+$0x10];
	p1 =	sne.s32 s17, $0x1FC;
	[tilespmem:s15+$0x810 ss:$0x81] =	vst.msk $0xffff, v2;
	s19 =	smov.u32 s17;
	s17 =	sadd.s32 $0x4, s17  }
.Ltmp3:
0x35: {  	v2 =	vld [tilespmem:s18+$0xFFFFFFF0];
	[tilespmem:s15+$0x1020 ss:$0x81] =	vst.msk $0xffff, v0;
	(pc) =	sbr.rel @p1 .LBB1_3-.Ltmp3, $4  }
0x36: {  	v0 =	vld [tilespmem:s18+$0x0];
	[tilespmem:s15+$0x0 ss:$0x81] =	vst.msk $0xffff, v1  }
0x37: {  	s15 =	sshra.s32 s19, $0x2;
	v1 =	vld [tilespmem:s18+$0xFFFFFFE0]  }
0x38: {  	s15 =	sadd.s32 s15, s16  }
0x39: {  	s18 =	sadd.s32 $0x40, s18;
	[tilespmem:s15+$0x1830 ss:$0x81] =	vst.msk $0xffff, v3  }
.Ltmp4:
0x3a: {  	_ = 	snop;
	(pc) =	sbr.rel .LBB1_4-.Ltmp4, $1  }
0x3b: {  	_ =	sdelay $0x3  }
.LBB1_6:
0x3c: {  	_ =	sfence.sel $0x180000  }
0x3d: {  	s2 =	simm.s32 $0x1;
	[bflag:$0x0] =	sbarrier.arrive $0xFFFF  }
0x3e: {  	s31 =	simm.s32 $0x2;
	[sflag:s2] =	ssyncpa.u1 $0x1  }
0x3f: {  	[sflag:s31] =	ssyncpa.u1 $0x1  }
0x40: {  	p0 =	sne.s32 s0, $0x0;
	_ =	strace $0x9000004A  }
0x41: {  	s0 =	sadd.s32 @!p0 $0x100000, s1;
	[bflag:$0x2] =	sbarrier.arrive $0xFFFF  }
0x42: {  	[sflag:s0] =	ssyncadd.tile.s32 @!p0 $0x1;
	_ =	shalt  }
.Lfunc_end1:
_tile_overlayer_lowered:
.L_overlay_start_2:
0x43: {  	(tag) =	ssettag $0x2  }
0x44: {  	s0 =	rddreg [dreg:$0x0];
	s2 =	stileid.u32  }
0x45: {  	s1 =	rddreg [dreg:$0x1];
	p0 =	sne.s32 s2, $0x0  }
0x46: {  	s3 =	rddreg [dreg:$0x2];
	[bflag:$0x3] =	sbarrier.arrive $0xFFFF;
	s2 =	simm.s32 @!p0 $0x1C01  }
0x47: {  	[timem:s3], [sflag:s2] =	dma.local @!p0 [hbm:s0], s1  }
0x48: {  	s0 =	simm.s32 @!p0 $0x1  }
0x49: {  	_ =	swait.ge @!p0 [sflag:s0], s1  }
0x4a: {  	s1 =	ssub.s32 @!p0 $0x0, s1;
	[sflag:s0] =	ssyncset.done @!p0 $0x0  }
0x4b: {  	[sflag:s0] =	ssyncadd.s32 @!p0 s1  }
0x4c: {  	[bflag:$0x3] =	sbarrier.arrive $0xFFFF  }
0x4d: {  	_ =	shalt  }

</sc_bundles>
